<compile_context>
chip_gen: v7x
topology: tpu7x:2x2x1
jax: 0.10.2.dev20260603
libtpu: 0.0.44.dev20260713+nightly
codegen_flags: <defaults>
</compile_context>

<pallas_src>
import jax
import jax.numpy as jnp
from jax.experimental import pallas as pl
from jax.experimental.pallas import tpu as pltpu

E = 8
D = 1024
H_DIM = 2048
MAX_A = 32
T = 8
B = 128
CB = 16
NC = 32
DC = D // NC
NW = B // 4
META_LEN = NW + 2 * E

_INV_SQRT2 = 0.7071067811865476


def _mlp_kernel(meta_hbm, x_ref, w1_hbm, b1_ref, w2_ref, b2_ref, mask_ref,
                out_ref, xs_ref, w1_buf, meta_s, sems, msem):
    e = pl.program_id(0)
    slot = jax.lax.rem(e, 2)
    nslot = jax.lax.rem(e + 1, 2)

    @pl.when(e == 0)
    def _():
        pltpu.make_async_copy(meta_hbm, meta_s, msem).start()
        for c in range(NC):
            pltpu.make_async_copy(
                w1_hbm.at[0, pl.ds(c * DC, DC), :],
                w1_buf.at[0, pl.ds(c * DC, DC), :],
                sems.at[0, c]).start()
        pltpu.make_async_copy(meta_hbm, meta_s, msem).wait()

    @pl.when(e + 1 < E)
    def _():
        for c in range(NC):
            pltpu.make_async_copy(
                w1_hbm.at[e + 1, pl.ds(c * DC, DC), :],
                w1_buf.at[nslot, pl.ds(c * DC, DC), :],
                sems.at[nslot, c]).start()

    for c in range(NC):
        pltpu.make_async_copy(
            w1_hbm.at[e, pl.ds(c * DC, DC), :],
            w1_buf.at[slot, pl.ds(c * DC, DC), :],
            sems.at[slot, c]).wait()

    start = meta_s[NW + e]
    cnt = meta_s[NW + E + e]
    nb = (cnt + CB - 1) // CB

    def _perm(p):
        word = meta_s[p // 4]
        return (word >> (8 * (p % 4))) & 0xFF

    def blk(k, carry):
        base = k * CB
        for i in range(CB):
            p = jnp.minimum(start + base + i, B - 1)
            b = _perm(p)
            xs_ref[pl.ds(i * T, T), :] = x_ref[pl.ds(b * T, T), :]
        h = jnp.dot(xs_ref[...], w1_buf[slot],
                    preferred_element_type=jnp.float32) + b1_ref[0]
        h = 0.5 * h * (1.0 + jax.lax.erf(h * _INV_SQRT2))
        dec = jnp.dot(h, w2_ref[0], preferred_element_type=jnp.float32)
        dec = (dec + b2_ref[0]) * mask_ref[0]
        for i in range(CB):
            p = jnp.minimum(start + base + i, B - 1)
            b = _perm(p)

            @pl.when(base + i < cnt)
            def _store():
                out_ref[pl.ds(b * T, T), :] = dec[i * T:(i + 1) * T, :]

        return carry

    del blk


def kernel(pred_action_latents, embodiment_ids, W1, b1, W2, b2, action_mask):
    Bn, Tn, _ = pred_action_latents.shape
    N = Bn * Tn
    x = pred_action_latents.reshape(N, D)

    ids = embodiment_ids.astype(jnp.int32)
    order = jnp.argsort(ids, stable=True).astype(jnp.int32)
    counts = jnp.zeros((E,), jnp.int32).at[ids].add(1)
    starts = jnp.concatenate(
        [jnp.zeros((1,), jnp.int32), jnp.cumsum(counts)[:-1].astype(jnp.int32)])
    ow = order.reshape(NW, 4)
    packed = (ow[:, 0] | (ow[:, 1] << 8) | (ow[:, 2] << 16) | (ow[:, 3] << 24))
    meta = jnp.concatenate([packed, starts, counts])

    out = pl.pallas_call(
        _mlp_kernel,
        grid=(E,),
        in_specs=[
            pl.BlockSpec(memory_space=pl.ANY),
            pl.BlockSpec((N, D), lambda e: (0, 0)),
            pl.BlockSpec(memory_space=pl.ANY),
            pl.BlockSpec((1, 1, H_DIM), lambda e: (e, 0, 0)),
            pl.BlockSpec((1, H_DIM, MAX_A), lambda e: (e, 0, 0)),
            pl.BlockSpec((1, 1, MAX_A), lambda e: (e, 0, 0)),
            pl.BlockSpec((1, 1, MAX_A), lambda e: (e, 0, 0)),
        ],
        out_specs=pl.BlockSpec((N, MAX_A), lambda e: (0, 0)),
        scratch_shapes=[
            pltpu.VMEM((CB * T, D), jnp.float32),
            pltpu.VMEM((2, D, H_DIM), jnp.float32),
            pltpu.SMEM((META_LEN,), jnp.int32),
            pltpu.SemaphoreType.DMA((2, NC)),
            pltpu.SemaphoreType.DMA,
        ],
        out_shape=jax.ShapeDtypeStruct((N, MAX_A), jnp.float32),
    )(meta, x, W1, b1[:, None, :], W2, b2[:, None, :],
      action_mask[:, None, :])
    return out.reshape(Bn, Tn, MAX_A)

# --- scband reference (transcript-rebuilt; emitter-appended) ---
"""Pipeline reference for scband-action-decoder-34754875359782 (READ-ONLY COPY).

The authoritative reference and input builder live on the scoring server;
editing this copy changes nothing except your own understanding.
"""

import jax, jax.numpy as jnp
import numpy as np

E = 8
D = 1024
H_DIM = 2048
MAX_A = 32
B = 128
T = 8
ACTION_DIMS = [7, 14, 8, 16, 12, 6, 32, 10]


def setup_inputs(seed: int = 0) -> dict:
    key = jax.random.key(seed)
    ks = jax.random.split(key, 6)
    x = jax.random.normal(ks[0], (B, T, D), dtype=jnp.float32)
    embodiment_ids = jax.random.randint(ks[1], (B,), 0, E)
    W1 = jax.random.normal(ks[2], (E, D, H_DIM), dtype=jnp.float32) * (1.0 / np.sqrt(D))
    b1 = jnp.zeros((E, H_DIM), dtype=jnp.float32)
    W2 = jax.random.normal(ks[3], (E, H_DIM, MAX_A), dtype=jnp.float32) * (1.0 / np.sqrt(H_DIM))
    b2 = jnp.zeros((E, MAX_A), dtype=jnp.float32)
    # mask zeroing columns >= action_dim[e]; equivalent to writing decoded[..., :action_dim]
    # into a zero-initialized output of width MAX_A
    action_mask = (jnp.arange(MAX_A)[None, :] < jnp.asarray(ACTION_DIMS)[:, None]).astype(jnp.float32)
    return {
        "pred_action_latents": x,
        "embodiment_ids": embodiment_ids,
        "W1": W1,
        "b1": b1,
        "W2": W2,
        "b2": b2,
        "action_mask": action_mask,
    }


def reference(pred_action_latents, embodiment_ids, W1, b1, W2, b2, action_mask):
    Bn, Tn, _ = pred_action_latents.shape
    out = jnp.zeros((Bn, Tn, action_mask.shape[1]), dtype=jnp.float32)
    for e in range(W1.shape[0]):
        # gather: index_select over batch dim
        h = jax.nn.gelu(pred_action_latents @ W1[e] + b1[e], approximate=False)
        dec = (h @ W2[e] + b2[e]) * action_mask[e]
        # scatter-overwrite: index_copy_ into zero-padded output
        sel = (embodiment_ids == e)[:, None, None]
        out = jnp.where(sel, dec, out)
    return out

if __name__ == "__main__":
    import jax
    _d = setup_inputs()
    print(jax.jit(kernel)(*tuple(_d.values())))

</pallas_src>

<mosaic_0001>
module attributes {stable_mosaic.version = 14 : i64} {
  func.func @_mlp_kernel(%arg0: i32, %arg1: memref<48xi32, #tpu.memory_space<any>>, %arg2: memref<1024x1024xf32, #tpu.memory_space<vmem>>, %arg3: memref<8x1024x2048xf32, #tpu.memory_space<any>>, %arg4: memref<1x1x2048xf32, #tpu.memory_space<vmem>>, %arg5: memref<1x2048x32xf32, #tpu.memory_space<vmem>>, %arg6: memref<1x1x32xf32, #tpu.memory_space<vmem>>, %arg7: memref<1x1x32xf32, #tpu.memory_space<vmem>>, %arg8: memref<1024x32xf32, #tpu.memory_space<vmem>>, %arg9: memref<128x1024xf32, #tpu.memory_space<vmem>>, %arg10: memref<2x1024x2048xf32, #tpu.memory_space<vmem>>, %arg11: memref<48xi32, #tpu.memory_space<smem>>, %arg12: memref<2x32x!tpu.dma_semaphore, #tpu.memory_space<semaphore_mem>>, %arg13: memref<!tpu.dma_semaphore, #tpu.memory_space<semaphore_mem>>) attributes {dimension_semantics = [#tpu.dimension_semantics<arbitrary>], iteration_bounds = array<i64: 8>, scalar_prefetch = 0 : i64, scratch_operands = 5 : i64, tpu.core_type = #tpu.core_type<tc>, window_params = [{}, {pipeline_mode = #tpu.pipeline_mode<synchronous>, transform_indices = @transform_1, window_bounds = array<i64: 1024, 1024>}, {}, {transform_indices = @transform_3, window_bounds = array<i64: 1, 1, 2048>}, {transform_indices = @transform_4, window_bounds = array<i64: 1, 2048, 32>}, {transform_indices = @transform_5, window_bounds = array<i64: 1, 1, 32>}, {transform_indices = @transform_6, window_bounds = array<i64: 1, 1, 32>}, {pipeline_mode = #tpu.pipeline_mode<synchronous>, transform_indices = @transform_7, window_bounds = array<i64: 1024, 32>}]} {
    %rem3A = arith.constant 2 : i32
    %rem3A_0 = arith.remsi %arg0, %rem3A : i32
    %add3A = arith.constant 1 : i32
    %add3A_1 = arith.addi %arg0, %add3A : i32
    %rem3A_2 = arith.constant 2 : i32
    %rem3A_3 = arith.remsi %add3A_1, %rem3A_2 : i32
    %eq3A = arith.constant 0 : i32
    %eq3A_4 = arith.cmpi eq, %arg0, %eq3A : i32
    %convert_element_type3A = arith.extui %eq3A_4 : i1 to i32
    %cond3A = arith.constant 0 : i32
    %cond3A_5 = arith.cmpi ne, %convert_element_type3A, %cond3A : i32
    scf.if %cond3A_5 {
      tpu.enqueue_dma source(%arg1 : memref<48xi32, #tpu.memory_space<any>>) target(%arg11 : memref<48xi32, #tpu.memory_space<smem>>) target_semaphore(%arg13 : memref<!tpu.dma_semaphore, #tpu.memory_space<semaphore_mem>>)
      %dma_start3A = arith.constant 0 : i32
      %dma_start3A_363 = arith.constant 0 : i32
      %dma_start3A_364 = arith.constant 0 : i32
      %dma_start3A_365 = arith.constant 0 : i32
      %dma_start3A_366 = tpu.memref_slice %arg12[%dma_start3A_364, %dma_start3A_365] : memref<2x32x!tpu.dma_semaphore, #tpu.memory_space<semaphore_mem>> -> memref<1x1x!tpu.dma_semaphore, #tpu.memory_space<semaphore_mem>>
      %dma_start3A_367 = tpu.memref_squeeze %dma_start3A_366 : memref<1x1x!tpu.dma_semaphore, #tpu.memory_space<semaphore_mem>> -> memref<!tpu.dma_semaphore, #tpu.memory_space<semaphore_mem>>
      %dma_start3A_368 = arith.constant 0 : i32
      %dma_start3A_369 = arith.constant 0 : i32
      %dma_start3A_370 = tpu.memref_slice %arg10[%dma_start3A_363, %dma_start3A_368, %dma_start3A_369] : memref<2x1024x2048xf32, #tpu.memory_space<vmem>> -> memref<1x32x2048xf32, #tpu.memory_space<vmem>>
      %dma_start3A_371 = tpu.memref_squeeze %dma_start3A_370 : memref<1x32x2048xf32, #tpu.memory_space<vmem>> -> memref<32x2048xf32, #tpu.memory_space<vmem>>
      %dma_start3A_372 = arith.constant 0 : i32
      %dma_start3A_373 = arith.constant 0 : i32
      %dma_start3A_374 = tpu.memref_slice %arg3[%dma_start3A, %dma_start3A_372, %dma_start3A_373] : memref<8x1024x2048xf32, #tpu.memory_space<any>> -> memref<1x32x2048xf32, #tpu.memory_space<any>>
      %dma_start3A_375 = tpu.memref_squeeze %dma_start3A_374 : memref<1x32x2048xf32, #tpu.memory_space<any>> -> memref<32x2048xf32, #tpu.memory_space<any>>
      tpu.enqueue_dma source(%dma_start3A_375 : memref<32x2048xf32, #tpu.memory_space<any>>) target(%dma_start3A_371 : memref<32x2048xf32, #tpu.memory_space<vmem>>) target_semaphore(%dma_start3A_367 : memref<!tpu.dma_semaphore, #tpu.memory_space<semaphore_mem>>)
      %dma_start3A_376 = arith.constant 0 : i32
      %dma_start3A_377 = arith.constant 0 : i32
      %dma_start3A_378 = arith.constant 0 : i32
      %dma_start3A_379 = arith.constant 1 : i32
      %dma_start3A_380 = tpu.memref_slice %arg12[%dma_start3A_378, %dma_start3A_379] : memref<2x32x!tpu.dma_semaphore, #tpu.memory_space<semaphore_mem>> -> memref<1x1x!tpu.dma_semaphore, #tpu.memory_space<semaphore_mem>>
      %dma_start3A_381 = tpu.memref_squeeze %dma_start3A_380 : memref<1x1x!tpu.dma_semaphore, #tpu.memory_space<semaphore_mem>> -> memref<!tpu.dma_semaphore, #tpu.memory_space<semaphore_mem>>
      %dma_start3A_382 = arith.constant 32 : i32
      %dma_start3A_383 = arith.constant 0 : i32
      %dma_start3A_384 = tpu.memref_slice %arg10[%dma_start3A_377, %dma_start3A_382, %dma_start3A_383] : memref<2x1024x2048xf32, #tpu.memory_space<vmem>> -> memref<1x32x2048xf32, #tpu.memory_space<vmem>>
      %dma_start3A_385 = tpu.memref_squeeze %dma_start3A_384 : memref<1x32x2048xf32, #tpu.memory_space<vmem>> -> memref<32x2048xf32, #tpu.memory_space<vmem>>
      %dma_start3A_386 = arith.constant 32 : i32
      %dma_start3A_387 = arith.constant 0 : i32
      %dma_start3A_388 = tpu.memref_slice %arg3[%dma_start3A_376, %dma_start3A_386, %dma_start3A_387] : memref<8x1024x2048xf32, #tpu.memory_space<any>> -> memref<1x32x2048xf32, #tpu.memory_space<any>>
      %dma_start3A_389 = tpu.memref_squeeze %dma_start3A_388 : memref<1x32x2048xf32, #tpu.memory_space<any>> -> memref<32x2048xf32, #tpu.memory_space<any>>
      tpu.enqueue_dma source(%dma_start3A_389 : memref<32x2048xf32, #tpu.memory_space<any>>) target(%dma_start3A_385 : memref<32x2048xf32, #tpu.memory_space<vmem>>) target_semaphore(%dma_start3A_381 : memref<!tpu.dma_semaphore, #tpu.memory_space<semaphore_mem>>)
      %dma_start3A_390 = arith.constant 0 : i32
      %dma_start3A_391 = arith.constant 0 : i32
      %dma_start3A_392 = arith.constant 0 : i32
      %dma_start3A_393 = arith.constant 2 : i32
      %dma_start3A_394 = tpu.memref_slice %arg12[%dma_start3A_392, %dma_start3A_393] : memref<2x32x!tpu.dma_semaphore, #tpu.memory_space<semaphore_mem>> -> memref<1x1x!tpu.dma_semaphore, #tpu.memory_space<semaphore_mem>>
      %dma_start3A_395 = tpu.memref_squeeze %dma_start3A_394 : memref<1x1x!tpu.dma_semaphore, #tpu.memory_space<semaphore_mem>> -> memref<!tpu.dma_semaphore, #tpu.memory_space<semaphore_mem>>
      %dma_start3A_396 = arith.constant 64 : i32
      %dma_start3A_397 = arith.constant 0 : i32
      %dma_start3A_398 = tpu.memref_slice %arg10[%dma_start3A_391, %dma_start3A_396, %dma_start3A_397] : memref<2x1024x2048xf32, #tpu.memory_space<vmem>> -> memref<1x32x2048xf32, #tpu.memory_space<vmem>>
      %dma_start3A_399 = tpu.memref_squeeze %dma_start3A_398 : memref<1x32x2048xf32, #tpu.memory_space<vmem>> -> memref<32x2048xf32, #tpu.memory_space<vmem>>
      %dma_start3A_400 = arith.constant 64 : i32
      %dma_start3A_401 = arith.constant 0 : i32
      %dma_start3A_402 = tpu.memref_slice %arg3[%dma_start3A_390, %dma_start3A_400, %dma_start3A_401] : memref<8x1024x2048xf32, #tpu.memory_space<any>> -> memref<1x32x2048xf32, #tpu.memory_space<any>>
      %dma_start3A_403 = tpu.memref_squeeze %dma_start3A_402 : memref<1x32x2048xf32, #tpu.memory_space<any>> -> memref<32x2048xf32, #tpu.memory_space<any>>
      tpu.enqueue_dma source(%dma_start3A_403 : memref<32x2048xf32, #tpu.memory_space<any>>) target(%dma_start3A_399 : memref<32x2048xf32, #tpu.memory_space<vmem>>) target_semaphore(%dma_start3A_395 : memref<!tpu.dma_semaphore, #tpu.memory_space<semaphore_mem>>)
      %dma_start3A_404 = arith.constant 0 : i32
      %dma_start3A_405 = arith.constant 0 : i32
      %dma_start3A_406 = arith.constant 0 : i32
      %dma_start3A_407 = arith.constant 3 : i32
      %dma_start3A_408 = tpu.memref_slice %arg12[%dma_start3A_406, %dma_start3A_407] : memref<2x32x!tpu.dma_semaphore, #tpu.memory_space<semaphore_mem>> -> memref<1x1x!tpu.dma_semaphore, #tpu.memory_space<semaphore_mem>>
      %dma_start3A_409 = tpu.memref_squeeze %dma_start3A_408 : memref<1x1x!tpu.dma_semaphore, #tpu.memory_space<semaphore_mem>> -> memref<!tpu.dma_semaphore, #tpu.memory_space<semaphore_mem>>
      %dma_start3A_410 = arith.constant 96 : i32
      %dma_start3A_411 = arith.constant 0 : i32
      %dma_start3A_412 = tpu.memref_slice %arg10[%dma_start3A_405, %dma_start3A_410, %dma_start3A_411] : memref<2x1024x2048xf32, #tpu.memory_space<vmem>> -> memref<1x32x2048xf32, #tpu.memory_space<vmem>>
      %dma_start3A_413 = tpu.memref_squeeze %dma_start3A_412 : memref<1x32x2048xf32, #tpu.memory_space<vmem>> -> memref<32x2048xf32, #tpu.memory_space<vmem>>
      %dma_start3A_414 = arith.constant 96 : i32
      %dma_start3A_415 = arith.constant 0 : i32
      %dma_start3A_416 = tpu.memref_slice %arg3[%dma_start3A_404, %dma_start3A_414, %dma_start3A_415] : memref<8x1024x2048xf32, #tpu.memory_space<any>> -> memref<1x32x2048xf32, #tpu.memory_space<any>>
      %dma_start3A_417 = tpu.memref_squeeze %dma_start3A_416 : memref<1x32x2048xf32, #tpu.memory_space<any>> -> memref<32x2048xf32, #tpu.memory_space<any>>
      tpu.enqueue_dma source(%dma_start3A_417 : memref<32x2048xf32, #tpu.memory_space<any>>) target(%dma_start3A_413 : memref<32x2048xf32, #tpu.memory_space<vmem>>) target_semaphore(%dma_start3A_409 : memref<!tpu.dma_semaphore, #tpu.memory_space<semaphore_mem>>)
      %dma_start3A_418 = arith.constant 0 : i32
      %dma_start3A_419 = arith.constant 0 : i32
      %dma_start3A_420 = arith.constant 0 : i32
      %dma_start3A_421 = arith.constant 4 : i32
      %dma_start3A_422 = tpu.memref_slice %arg12[%dma_start3A_420, %dma_start3A_421] : memref<2x32x!tpu.dma_semaphore, #tpu.memory_space<semaphore_mem>> -> memref<1x1x!tpu.dma_semaphore, #tpu.memory_space<semaphore_mem>>
      %dma_start3A_423 = tpu.memref_squeeze %dma_start3A_422 : memref<1x1x!tpu.dma_semaphore, #tpu.memory_space<semaphore_mem>> -> memref<!tpu.dma_semaphore, #tpu.memory_space<semaphore_mem>>
      %dma_start3A_424 = arith.constant 128 : i32
      %dma_start3A_425 = arith.constant 0 : i32
      %dma_start3A_426 = tpu.memref_slice %arg10[%dma_start3A_419, %dma_start3A_424, %dma_start3A_425] : memref<2x1024x2048xf32, #tpu.memory_space<vmem>> -> memref<1x32x2048xf32, #tpu.memory_space<vmem>>
      %dma_start3A_427 = tpu.memref_squeeze %dma_start3A_426 : memref<1x32x2048xf32, #tpu.memory_space<vmem>> -> memref<32x2048xf32, #tpu.memory_space<vmem>>
      %dma_start3A_428 = arith.constant 128 : i32
      %dma_start3A_429 = arith.constant 0 : i32
      %dma_start3A_430 = tpu.memref_slice %arg3[%dma_start3A_418, %dma_start3A_428, %dma_start3A_429] : memref<8x1024x2048xf32, #tpu.memory_space<any>> -> memref<1x32x2048xf32, #tpu.memory_space<any>>
      %dma_start3A_431 = tpu.memref_squeeze %dma_start3A_430 : memref<1x32x2048xf32, #tpu.memory_space<any>> -> memref<32x2048xf32, #tpu.memory_space<any>>
      tpu.enqueue_dma source(%dma_start3A_431 : memref<32x2048xf32, #tpu.memory_space<any>>) target(%dma_start3A_427 : memref<32x2048xf32, #tpu.memory_space<vmem>>) target_semaphore(%dma_start3A_423 : memref<!tpu.dma_semaphore, #tpu.memory_space<semaphore_mem>>)
      %dma_start3A_432 = arith.constant 0 : i32
      %dma_start3A_433 = arith.constant 0 : i32
      %dma_start3A_434 = arith.constant 0 : i32
      %dma_start3A_435 = arith.constant 5 : i32
      %dma_start3A_436 = tpu.memref_slice %arg12[%dma_start3A_434, %dma_start3A_435] : memref<2x32x!tpu.dma_semaphore, #tpu.memory_space<semaphore_mem>> -> memref<1x1x!tpu.dma_semaphore, #tpu.memory_space<semaphore_mem>>
      %dma_start3A_437 = tpu.memref_squeeze %dma_start3A_436 : memref<1x1x!tpu.dma_semaphore, #tpu.memory_space<semaphore_mem>> -> memref<!tpu.dma_semaphore, #tpu.memory_space<semaphore_mem>>
      %dma_start3A_438 = arith.constant 160 : i32
      %dma_start3A_439 = arith.constant 0 : i32
      %dma_start3A_440 = tpu.memref_slice %arg10[%dma_start3A_433, %dma_start3A_438, %dma_start3A_439] : memref<2x1024x2048xf32, #tpu.memory_space<vmem>> -> memref<1x32x2048xf32, #tpu.memory_space<vmem>>
      %dma_start3A_441 = tpu.memref_squeeze %dma_start3A_440 : memref<1x32x2048xf32, #tpu.memory_space<vmem>> -> memref<32x2048xf32, #tpu.memory_space<vmem>>
      %dma_start3A_442 = arith.constant 160 : i32
      %dma_start3A_443 = arith.constant 0 : i32
      %dma_start3A_444 = tpu.memref_slice %arg3[%dma_start3A_432, %dma_start3A_442, %dma_start3A_443] : memref<8x1024x2048xf32, #tpu.memory_space<any>> -> memref<1x32x2048xf32, #tpu.memory_space<any>>
      %dma_start3A_445 = tpu.memref_squeeze %dma_start3A_444 : memref<1x32x2048xf32, #tpu.memory_space<any>> -> memref<32x2048xf32, #tpu.memory_space<any>>
      tpu.enqueue_dma source(%dma_start3A_445 : memref<32x2048xf32, #tpu.memory_space<any>>) target(%dma_start3A_441 : memref<32x2048xf32, #tpu.memory_space<vmem>>) target_semaphore(%dma_start3A_437 : memref<!tpu.dma_semaphore, #tpu.memory_space<semaphore_mem>>)
      %dma_start3A_446 = arith.constant 0 : i32
      %dma_start3A_447 = arith.constant 0 : i32
      %dma_start3A_448 = arith.constant 0 : i32
      %dma_start3A_449 = arith.constant 6 : i32
      %dma_start3A_450 = tpu.memref_slice %arg12[%dma_start3A_448, %dma_start3A_449] : memref<2x32x!tpu.dma_semaphore, #tpu.memory_space<semaphore_mem>> -> memref<1x1x!tpu.dma_semaphore, #tpu.memory_space<semaphore_mem>>
      %dma_start3A_451 = tpu.memref_squeeze %dma_start3A_450 : memref<1x1x!tpu.dma_semaphore, #tpu.memory_space<semaphore_mem>> -> memref<!tpu.dma_semaphore, #tpu.memory_space<semaphore_mem>>
      %dma_start3A_452 = arith.constant 192 : i32
      %dma_start3A_453 = arith.constant 0 : i32
      %dma_start3A_454 = tpu.memref_slice %arg10[%dma_start3A_447, %dma_start3A_452, %dma_start3A_453] : memref<2x1024x2048xf32, #tpu.memory_space<vmem>> -> memref<1x32x2048xf32, #tpu.memory_space<vmem>>
      %dma_start3A_455 = tpu.memref_squeeze %dma_start3A_454 : memref<1x32x2048xf32, #tpu.memory_space<vmem>> -> memref<32x2048xf32, #tpu.memory_space<vmem>>
      %dma_start3A_456 = arith.constant 192 : i32
      %dma_start3A_457 = arith.constant 0 : i32
      %dma_start3A_458 = tpu.memref_slice %arg3[%dma_start3A_446, %dma_start3A_456, %dma_start3A_457] : memref<8x1024x2048xf32, #tpu.memory_space<any>> -> memref<1x32x2048xf32, #tpu.memory_space<any>>
      %dma_start3A_459 = tpu.memref_squeeze %dma_start3A_458 : memref<1x32x2048xf32, #tpu.memory_space<any>> -> memref<32x2048xf32, #tpu.memory_space<any>>
      tpu.enqueue_dma source(%dma_start3A_459 : memref<32x2048xf32, #tpu.memory_space<any>>) target(%dma_start3A_455 : memref<32x2048xf32, #tpu.memory_space<vmem>>) target_semaphore(%dma_start3A_451 : memref<!tpu.dma_semaphore, #tpu.memory_space<semaphore_mem>>)
      %dma_start3A_460 = arith.constant 0 : i32
      %dma_start3A_461 = arith.constant 0 : i32
      %dma_start3A_462 = arith.constant 0 : i32
      %dma_start3A_463 = arith.constant 7 : i32
      %dma_start3A_464 = tpu.memref_slice %arg12[%dma_start3A_462, %dma_start3A_463] : memref<2x32x!tpu.dma_semaphore, #tpu.memory_space<semaphore_mem>> -> memref<1x1x!tpu.dma_semaphore, #tpu.memory_space<semaphore_mem>>
      %dma_start3A_465 = tpu.memref_squeeze %dma_start3A_464 : memref<1x1x!tpu.dma_semaphore, #tpu.memory_space<semaphore_mem>> -> memref<!tpu.dma_semaphore, #tpu.memory_space<semaphore_mem>>
      %dma_start3A_466 = arith.constant 224 : i32
      %dma_start3A_467 = arith.constant 0 : i32
      %dma_start3A_468 = tpu.memref_slice %arg10[%dma_start3A_461, %dma_start3A_466, %dma_start3A_467] : memref<2x1024x2048xf32, #tpu.memory_space<vmem>> -> memref<1x32x2048xf32, #tpu.memory_space<vmem>>
      %dma_start3A_469 = tpu.memref_squeeze %dma_start3A_468 : memref<1x32x2048xf32, #tpu.memory_space<vmem>> -> memref<32x2048xf32, #tpu.memory_space<vmem>>
      %dma_start3A_470 = arith.constant 224 : i32
      %dma_start3A_471 = arith.constant 0 : i32
      %dma_start3A_472 = tpu.memref_slice %arg3[%dma_start3A_460, %dma_start3A_470, %dma_start3A_471] : memref<8x1024x2048xf32, #tpu.memory_space<any>> -> memref<1x32x2048xf32, #tpu.memory_space<any>>
      %dma_start3A_473 = tpu.memref_squeeze %dma_start3A_472 : memref<1x32x2048xf32, #tpu.memory_space<any>> -> memref<32x2048xf32, #tpu.memory_space<any>>
      tpu.enqueue_dma source(%dma_start3A_473 : memref<32x2048xf32, #tpu.memory_space<any>>) target(%dma_start3A_469 : memref<32x2048xf32, #tpu.memory_space<vmem>>) target_semaphore(%dma_start3A_465 : memref<!tpu.dma_semaphore, #tpu.memory_space<semaphore_mem>>)
      %dma_start3A_474 = arith.constant 0 : i32
      %dma_start3A_475 = arith.constant 0 : i32
      %dma_start3A_476 = arith.constant 0 : i32
      %dma_start3A_477 = arith.constant 8 : i32
      %dma_start3A_478 = tpu.memref_slice %arg12[%dma_start3A_476, %dma_start3A_477] : memref<2x32x!tpu.dma_semaphore, #tpu.memory_space<semaphore_mem>> -> memref<1x1x!tpu.dma_semaphore, #tpu.memory_space<semaphore_mem>>
      %dma_start3A_479 = tpu.memref_squeeze %dma_start3A_478 : memref<1x1x!tpu.dma_semaphore, #tpu.memory_space<semaphore_mem>> -> memref<!tpu.dma_semaphore, #tpu.memory_space<semaphore_mem>>
      %dma_start3A_480 = arith.constant 256 : i32
      %dma_start3A_481 = arith.constant 0 : i32
      %dma_start3A_482 = tpu.memref_slice %arg10[%dma_start3A_475, %dma_start3A_480, %dma_start3A_481] : memref<2x1024x2048xf32, #tpu.memory_space<vmem>> -> memref<1x32x2048xf32, #tpu.memory_space<vmem>>
      %dma_start3A_483 = tpu.memref_squeeze %dma_start3A_482 : memref<1x32x2048xf32, #tpu.memory_space<vmem>> -> memref<32x2048xf32, #tpu.memory_space<vmem>>
      %dma_start3A_484 = arith.constant 256 : i32
      %dma_start3A_485 = arith.constant 0 : i32
      %dma_start3A_486 = tpu.memref_slice %arg3[%dma_start3A_474, %dma_start3A_484, %dma_start3A_485] : memref<8x1024x2048xf32, #tpu.memory_space<any>> -> memref<1x32x2048xf32, #tpu.memory_space<any>>
      %dma_start3A_487 = tpu.memref_squeeze %dma_start3A_486 : memref<1x32x2048xf32, #tpu.memory_space<any>> -> memref<32x2048xf32, #tpu.memory_space<any>>
      tpu.enqueue_dma source(%dma_start3A_487 : memref<32x2048xf32, #tpu.memory_space<any>>) target(%dma_start3A_483 : memref<32x2048xf32, #tpu.memory_space<vmem>>) target_semaphore(%dma_start3A_479 : memref<!tpu.dma_semaphore, #tpu.memory_space<semaphore_mem>>)
      %dma_start3A_488 = arith.constant 0 : i32
      %dma_start3A_489 = arith.constant 0 : i32
      %dma_start3A_490 = arith.constant 0 : i32
      %dma_start3A_491 = arith.constant 9 : i32
      %dma_start3A_492 = tpu.memref_slice %arg12[%dma_start3A_490, %dma_start3A_491] : memref<2x32x!tpu.dma_semaphore, #tpu.memory_space<semaphore_mem>> -> memref<1x1x!tpu.dma_semaphore, #tpu.memory_space<semaphore_mem>>
      %dma_start3A_493 = tpu.memref_squeeze %dma_start3A_492 : memref<1x1x!tpu.dma_semaphore, #tpu.memory_space<semaphore_mem>> -> memref<!tpu.dma_semaphore, #tpu.memory_space<semaphore_mem>>
      %dma_start3A_494 = arith.constant 288 : i32
      %dma_start3A_495 = arith.constant 0 : i32
      %dma_start3A_496 = tpu.memref_slice %arg10[%dma_start3A_489, %dma_start3A_494, %dma_start3A_495] : memref<2x1024x2048xf32, #tpu.memory_space<vmem>> -> memref<1x32x2048xf32, #tpu.memory_space<vmem>>
      %dma_start3A_497 = tpu.memref_squeeze %dma_start3A_496 : memref<1x32x2048xf32, #tpu.memory_space<vmem>> -> memref<32x2048xf32, #tpu.memory_space<vmem>>
      %dma_start3A_498 = arith.constant 288 : i32
      %dma_start3A_499 = arith.constant 0 : i32
      %dma_start3A_500 = tpu.memref_slice %arg3[%dma_start3A_488, %dma_start3A_498, %dma_start3A_499] : memref<8x1024x2048xf32, #tpu.memory_space<any>> -> memref<1x32x2048xf32, #tpu.memory_space<any>>
      %dma_start3A_501 = tpu.memref_squeeze %dma_start3A_500 : memref<1x32x2048xf32, #tpu.memory_space<any>> -> memref<32x2048xf32, #tpu.memory_space<any>>
      tpu.enqueue_dma source(%dma_start3A_501 : memref<32x2048xf32, #tpu.memory_space<any>>) target(%dma_start3A_497 : memref<32x2048xf32, #tpu.memory_space<vmem>>) target_semaphore(%dma_start3A_493 : memref<!tpu.dma_semaphore, #tpu.memory_space<semaphore_mem>>)
      %dma_start3A_502 = arith.constant 0 : i32
      %dma_start3A_503 = arith.constant 0 : i32
      %dma_start3A_504 = arith.constant 0 : i32
      %dma_start3A_505 = arith.constant 10 : i32
      %dma_start3A_506 = tpu.memref_slice %arg12[%dma_start3A_504, %dma_start3A_505] : memref<2x32x!tpu.dma_semaphore, #tpu.memory_space<semaphore_mem>> -> memref<1x1x!tpu.dma_semaphore, #tpu.memory_space<semaphore_mem>>
      %dma_start3A_507 = tpu.memref_squeeze %dma_start3A_506 : memref<1x1x!tpu.dma_semaphore, #tpu.memory_space<semaphore_mem>> -> memref<!tpu.dma_semaphore, #tpu.memory_space<semaphore_mem>>
      %dma_start3A_508 = arith.constant 320 : i32
      %dma_start3A_509 = arith.constant 0 : i32
      %dma_start3A_510 = tpu.memref_slice %arg10[%dma_start3A_503, %dma_start3A_508, %dma_start3A_509] : memref<2x1024x2048xf32, #tpu.memory_space<vmem>> -> memref<1x32x2048xf32, #tpu.memory_space<vmem>>
      %dma_start3A_511 = tpu.memref_squeeze %dma_start3A_510 : memref<1x32x2048xf32, #tpu.memory_space<vmem>> -> memref<32x2048xf32, #tpu.memory_space<vmem>>
      %dma_start3A_512 = arith.constant 320 : i32
      %dma_start3A_513 = arith.constant 0 : i32
      %dma_start3A_514 = tpu.memref_slice %arg3[%dma_start3A_502, %dma_start3A_512, %dma_start3A_513] : memref<8x1024x2048xf32, #tpu.memory_space<any>> -> memref<1x32x2048xf32, #tpu.memory_space<any>>
      %dma_start3A_515 = tpu.memref_squeeze %dma_start3A_514 : memref<1x32x2048xf32, #tpu.memory_space<any>> -> memref<32x2048xf32, #tpu.memory_space<any>>
      tpu.enqueue_dma source(%dma_start3A_515 : memref<32x2048xf32, #tpu.memory_space<any>>) target(%dma_start3A_511 : memref<32x2048xf32, #tpu.memory_space<vmem>>) target_semaphore(%dma_start3A_507 : memref<!tpu.dma_semaphore, #tpu.memory_space<semaphore_mem>>)
      %dma_start3A_516 = arith.constant 0 : i32
      %dma_start3A_517 = arith.constant 0 : i32
      %dma_start3A_518 = arith.constant 0 : i32
      %dma_start3A_519 = arith.constant 11 : i32
      %dma_start3A_520 = tpu.memref_slice %arg12[%dma_start3A_518, %dma_start3A_519] : memref<2x32x!tpu.dma_semaphore, #tpu.memory_space<semaphore_mem>> -> memref<1x1x!tpu.dma_semaphore, #tpu.memory_space<semaphore_mem>>
      %dma_start3A_521 = tpu.memref_squeeze %dma_start3A_520 : memref<1x1x!tpu.dma_semaphore, #tpu.memory_space<semaphore_mem>> -> memref<!tpu.dma_semaphore, #tpu.memory_space<semaphore_mem>>
      %dma_start3A_522 = arith.constant 352 : i32
      %dma_start3A_523 = arith.constant 0 : i32
      %dma_start3A_524 = tpu.memref_slice %arg10[%dma_start3A_517, %dma_start3A_522, %dma_start3A_523] : memref<2x1024x2048xf32, #tpu.memory_space<vmem>> -> memref<1x32x2048xf32, #tpu.memory_space<vmem>>
      %dma_start3A_525 = tpu.memref_squeeze %dma_start3A_524 : memref<1x32x2048xf32, #tpu.memory_space<vmem>> -> memref<32x2048xf32, #tpu.memory_space<vmem>>
      %dma_start3A_526 = arith.constant 352 : i32
      %dma_start3A_527 = arith.constant 0 : i32
      %dma_start3A_528 = tpu.memref_slice %arg3[%dma_start3A_516, %dma_start3A_526, %dma_start3A_527] : memref<8x1024x2048xf32, #tpu.memory_space<any>> -> memref<1x32x2048xf32, #tpu.memory_space<any>>
      %dma_start3A_529 = tpu.memref_squeeze %dma_start3A_528 : memref<1x32x2048xf32, #tpu.memory_space<any>> -> memref<32x2048xf32, #tpu.memory_space<any>>
      tpu.enqueue_dma source(%dma_start3A_529 : memref<32x2048xf32, #tpu.memory_space<any>>) target(%dma_start3A_525 : memref<32x2048xf32, #tpu.memory_space<vmem>>) target_semaphore(%dma_start3A_521 : memref<!tpu.dma_semaphore, #tpu.memory_space<semaphore_mem>>)
      %dma_start3A_530 = arith.constant 0 : i32
      %dma_start3A_531 = arith.constant 0 : i32
      %dma_start3A_532 = arith.constant 0 : i32
      %dma_start3A_533 = arith.constant 12 : i32
      %dma_start3A_534 = tpu.memref_slice %arg12[%dma_start3A_532, %dma_start3A_533] : memref<2x32x!tpu.dma_semaphore, #tpu.memory_space<semaphore_mem>> -> memref<1x1x!tpu.dma_semaphore, #tpu.memory_space<semaphore_mem>>
      %dma_start3A_535 = tpu.memref_squeeze %dma_start3A_534 : memref<1x1x!tpu.dma_semaphore, #tpu.memory_space<semaphore_mem>> -> memref<!tpu.dma_semaphore, #tpu.memory_space<semaphore_mem>>
      %dma_start3A_536 = arith.constant 384 : i32
      %dma_start3A_537 = arith.constant 0 : i32
      %dma_start3A_538 = tpu.memref_slice %arg10[%dma_start3A_531, %dma_start3A_536, %dma_start3A_537] : memref<2x1024x2048xf32, #tpu.memory_space<vmem>> -> memref<1x32x2048xf32, #tpu.memory_space<vmem>>
      %dma_start3A_539 = tpu.memref_squeeze %dma_start3A_538 : memref<1x32x2048xf32, #tpu.memory_space<vmem>> -> memref<32x2048xf32, #tpu.memory_space<vmem>>
      %dma_start3A_540 = arith.constant 384 : i32
      %dma_start3A_541 = arith.constant 0 : i32
      %dma_start3A_542 = tpu.memref_slice %arg3[%dma_start3A_530, %dma_start3A_540, %dma_start3A_541] : memref<8x1024x2048xf32, #tpu.memory_space<any>> -> memref<1x32x2048xf32, #tpu.memory_space<any>>
      %dma_start3A_543 = tpu.memref_squeeze %dma_start3A_542 : memref<1x32x2048xf32, #tpu.memory_space<any>> -> memref<32x2048xf32, #tpu.memory_space<any>>
      tpu.enqueue_dma source(%dma_start3A_543 : memref<32x2048xf32, #tpu.memory_space<any>>) target(%dma_start3A_539 : memref<32x2048xf32, #tpu.memory_space<vmem>>) target_semaphore(%dma_start3A_535 : memref<!tpu.dma_semaphore, #tpu.memory_space<semaphore_mem>>)
      %dma_start3A_544 = arith.constant 0 : i32
      %dma_start3A_545 = arith.constant 0 : i32
      %dma_start3A_546 = arith.constant 0 : i32
      %dma_start3A_547 = arith.constant 13 : i32
      %dma_start3A_548 = tpu.memref_slice %arg12[%dma_start3A_546, %dma_start3A_547] : memref<2x32x!tpu.dma_semaphore, #tpu.memory_space<semaphore_mem>> -> memref<1x1x!tpu.dma_semaphore, #tpu.memory_space<semaphore_mem>>
      %dma_start3A_549 = tpu.memref_squeeze %dma_start3A_548 : memref<1x1x!tpu.dma_semaphore, #tpu.memory_space<semaphore_mem>> -> memref<!tpu.dma_semaphore, #tpu.memory_space<semaphore_mem>>
      %dma_start3A_550 = arith.constant 416 : i32
      %dma_start3A_551 = arith.constant 0 : i32
      %dma_start3A_552 = tpu.memref_slice %arg10[%dma_start3A_545, %dma_start3A_550, %dma_start3A_551] : memref<2x1024x2048xf32, #tpu.memory_space<vmem>> -> memref<1x32x2048xf32, #tpu.memory_space<vmem>>
      %dma_start3A_553 = tpu.memref_squeeze %dma_start3A_552 : memref<1x32x2048xf32, #tpu.memory_space<vmem>> -> memref<32x2048xf32, #tpu.memory_space<vmem>>
      %dma_start3A_554 = arith.constant 416 : i32
      %dma_start3A_555 = arith.constant 0 : i32
      %dma_start3A_556 = tpu.memref_slice %arg3[%dma_start3A_544, %dma_start3A_554, %dma_start3A_555] : memref<8x1024x2048xf32, #tpu.memory_space<any>> -> memref<1x32x2048xf32, #tpu.memory_space<any>>
      %dma_start3A_557 = tpu.memref_squeeze %dma_start3A_556 : memref<1x32x2048xf32, #tpu.memory_space<any>> -> memref<32x2048xf32, #tpu.memory_space<any>>
      tpu.enqueue_dma source(%dma_start3A_557 : memref<32x2048xf32, #tpu.memory_space<any>>) target(%dma_start3A_553 : memref<32x2048xf32, #tpu.memory_space<vmem>>) target_semaphore(%dma_start3A_549 : memref<!tpu.dma_semaphore, #tpu.memory_space<semaphore_mem>>)
      %dma_start3A_558 = arith.constant 0 : i32
      %dma_start3A_559 = arith.constant 0 : i32
      %dma_start3A_560 = arith.constant 0 : i32
      %dma_start3A_561 = arith.constant 14 : i32
      %dma_start3A_562 = tpu.memref_slice %arg12[%dma_start3A_560, %dma_start3A_561] : memref<2x32x!tpu.dma_semaphore, #tpu.memory_space<semaphore_mem>> -> memref<1x1x!tpu.dma_semaphore, #tpu.memory_space<semaphore_mem>>
      %dma_start3A_563 = tpu.memref_squeeze %dma_start3A_562 : memref<1x1x!tpu.dma_semaphore, #tpu.memory_space<semaphore_mem>> -> memref<!tpu.dma_semaphore, #tpu.memory_space<semaphore_mem>>
      %dma_start3A_564 = arith.constant 448 : i32
      %dma_start3A_565 = arith.constant 0 : i32
      %dma_start3A_566 = tpu.memref_slice %arg10[%dma_start3A_559, %dma_start3A_564, %dma_start3A_565] : memref<2x1024x2048xf32, #tpu.memory_space<vmem>> -> memref<1x32x2048xf32, #tpu.memory_space<vmem>>
      %dma_start3A_567 = tpu.memref_squeeze %dma_start3A_566 : memref<1x32x2048xf32, #tpu.memory_space<vmem>> -> memref<32x2048xf32, #tpu.memory_space<vmem>>
      %dma_start3A_568 = arith.constant 448 : i32
      %dma_start3A_569 = arith.constant 0 : i32
      %dma_start3A_570 = tpu.memref_slice %arg3[%dma_start3A_558, %dma_start3A_568, %dma_start3A_569] : memref<8x1024x2048xf32, #tpu.memory_space<any>> -> memref<1x32x2048xf32, #tpu.memory_space<any>>
      %dma_start3A_571 = tpu.memref_squeeze %dma_start3A_570 : memref<1x32x2048xf32, #tpu.memory_space<any>> -> memref<32x2048xf32, #tpu.memory_space<any>>
      tpu.enqueue_dma source(%dma_start3A_571 : memref<32x2048xf32, #tpu.memory_space<any>>) target(%dma_start3A_567 : memref<32x2048xf32, #tpu.memory_space<vmem>>) target_semaphore(%dma_start3A_563 : memref<!tpu.dma_semaphore, #tpu.memory_space<semaphore_mem>>)
      %dma_start3A_572 = arith.constant 0 : i32
      %dma_start3A_573 = arith.constant 0 : i32
      %dma_start3A_574 = arith.constant 0 : i32
      %dma_start3A_575 = arith.constant 15 : i32
      %dma_start3A_576 = tpu.memref_slice %arg12[%dma_start3A_574, %dma_start3A_575] : memref<2x32x!tpu.dma_semaphore, #tpu.memory_space<semaphore_mem>> -> memref<1x1x!tpu.dma_semaphore, #tpu.memory_space<semaphore_mem>>
      %dma_start3A_577 = tpu.memref_squeeze %dma_start3A_576 : memref<1x1x!tpu.dma_semaphore, #tpu.memory_space<semaphore_mem>> -> memref<!tpu.dma_semaphore, #tpu.memory_space<semaphore_mem>>
      %dma_start3A_578 = arith.constant 480 : i32
      %dma_start3A_579 = arith.constant 0 : i32
      %dma_start3A_580 = tpu.memref_slice %arg10[%dma_start3A_573, %dma_start3A_578, %dma_start3A_579] : memref<2x1024x2048xf32, #tpu.memory_space<vmem>> -> memref<1x32x2048xf32, #tpu.memory_space<vmem>>
      %dma_start3A_581 = tpu.memref_squeeze %dma_start3A_580 : memref<1x32x2048xf32, #tpu.memory_space<vmem>> -> memref<32x2048xf32, #tpu.memory_space<vmem>>
      %dma_start3A_582 = arith.constant 480 : i32
      %dma_start3A_583 = arith.constant 0 : i32
      %dma_start3A_584 = tpu.memref_slice %arg3[%dma_start3A_572, %dma_start3A_582, %dma_start3A_583] : memref<8x1024x2048xf32, #tpu.memory_space<any>> -> memref<1x32x2048xf32, #tpu.memory_space<any>>
      %dma_start3A_585 = tpu.memref_squeeze %dma_start3A_584 : memref<1x32x2048xf32, #tpu.memory_space<any>> -> memref<32x2048xf32, #tpu.memory_space<any>>
      tpu.enqueue_dma source(%dma_start3A_585 : memref<32x2048xf32, #tpu.memory_space<any>>) target(%dma_start3A_581 : memref<32x2048xf32, #tpu.memory_space<vmem>>) target_semaphore(%dma_start3A_577 : memref<!tpu.dma_semaphore, #tpu.memory_space<semaphore_mem>>)
      %dma_start3A_586 = arith.constant 0 : i32
      %dma_start3A_587 = arith.constant 0 : i32
      %dma_start3A_588 = arith.constant 0 : i32
      %dma_start3A_589 = arith.constant 16 : i32
      %dma_start3A_590 = tpu.memref_slice %arg12[%dma_start3A_588, %dma_start3A_589] : memref<2x32x!tpu.dma_semaphore, #tpu.memory_space<semaphore_mem>> -> memref<1x1x!tpu.dma_semaphore, #tpu.memory_space<semaphore_mem>>
      %dma_start3A_591 = tpu.memref_squeeze %dma_start3A_590 : memref<1x1x!tpu.dma_semaphore, #tpu.memory_space<semaphore_mem>> -> memref<!tpu.dma_semaphore, #tpu.memory_space<semaphore_mem>>
      %dma_start3A_592 = arith.constant 512 : i32
      %dma_start3A_593 = arith.constant 0 : i32
      %dma_start3A_594 = tpu.memref_slice %arg10[%dma_start3A_587, %dma_start3A_592, %dma_start3A_593] : memref<2x1024x2048xf32, #tpu.memory_space<vmem>> -> memref<1x32x2048xf32, #tpu.memory_space<vmem>>
      %dma_start3A_595 = tpu.memref_squeeze %dma_start3A_594 : memref<1x32x2048xf32, #tpu.memory_space<vmem>> -> memref<32x2048xf32, #tpu.memory_space<vmem>>
      %dma_start3A_596 = arith.constant 512 : i32
      %dma_start3A_597 = arith.constant 0 : i32
      %dma_start3A_598 = tpu.memref_slice %arg3[%dma_start3A_586, %dma_start3A_596, %dma_start3A_597] : memref<8x1024x2048xf32, #tpu.memory_space<any>> -> memref<1x32x2048xf32, #tpu.memory_space<any>>
      %dma_start3A_599 = tpu.memref_squeeze %dma_start3A_598 : memref<1x32x2048xf32, #tpu.memory_space<any>> -> memref<32x2048xf32, #tpu.memory_space<any>>
      tpu.enqueue_dma source(%dma_start3A_599 : memref<32x2048xf32, #tpu.memory_space<any>>) target(%dma_start3A_595 : memref<32x2048xf32, #tpu.memory_space<vmem>>) target_semaphore(%dma_start3A_591 : memref<!tpu.dma_semaphore, #tpu.memory_space<semaphore_mem>>)
      %dma_start3A_600 = arith.constant 0 : i32
      %dma_start3A_601 = arith.constant 0 : i32
      %dma_start3A_602 = arith.constant 0 : i32
      %dma_start3A_603 = arith.constant 17 : i32
      %dma_start3A_604 = tpu.memref_slice %arg12[%dma_start3A_602, %dma_start3A_603] : memref<2x32x!tpu.dma_semaphore, #tpu.memory_space<semaphore_mem>> -> memref<1x1x!tpu.dma_semaphore, #tpu.memory_space<semaphore_mem>>
      %dma_start3A_605 = tpu.memref_squeeze %dma_start3A_604 : memref<1x1x!tpu.dma_semaphore, #tpu.memory_space<semaphore_mem>> -> memref<!tpu.dma_semaphore, #tpu.memory_space<semaphore_mem>>
      %dma_start3A_606 = arith.constant 544 : i32
      %dma_start3A_607 = arith.constant 0 : i32
      %dma_start3A_608 = tpu.memref_slice %arg10[%dma_start3A_601, %dma_start3A_606, %dma_start3A_607] : memref<2x1024x2048xf32, #tpu.memory_space<vmem>> -> memref<1x32x2048xf32, #tpu.memory_space<vmem>>
      %dma_start3A_609 = tpu.memref_squeeze %dma_start3A_608 : memref<1x32x2048xf32, #tpu.memory_space<vmem>> -> memref<32x2048xf32, #tpu.memory_space<vmem>>
      %dma_start3A_610 = arith.constant 544 : i32
      %dma_start3A_611 = arith.constant 0 : i32
      %dma_start3A_612 = tpu.memref_slice %arg3[%dma_start3A_600, %dma_start3A_610, %dma_start3A_611] : memref<8x1024x2048xf32, #tpu.memory_space<any>> -> memref<1x32x2048xf32, #tpu.memory_space<any>>
      %dma_start3A_613 = tpu.memref_squeeze %dma_start3A_612 : memref<1x32x2048xf32, #tpu.memory_space<any>> -> memref<32x2048xf32, #tpu.memory_space<any>>
      tpu.enqueue_dma source(%dma_start3A_613 : memref<32x2048xf32, #tpu.memory_space<any>>) target(%dma_start3A_609 : memref<32x2048xf32, #tpu.memory_space<vmem>>) target_semaphore(%dma_start3A_605 : memref<!tpu.dma_semaphore, #tpu.memory_space<semaphore_mem>>)
      %dma_start3A_614 = arith.constant 0 : i32
      %dma_start3A_615 = arith.constant 0 : i32
      %dma_start3A_616 = arith.constant 0 : i32
      %dma_start3A_617 = arith.constant 18 : i32
      %dma_start3A_618 = tpu.memref_slice %arg12[%dma_start3A_616, %dma_start3A_617] : memref<2x32x!tpu.dma_semaphore, #tpu.memory_space<semaphore_mem>> -> memref<1x1x!tpu.dma_semaphore, #tpu.memory_space<semaphore_mem>>
      %dma_start3A_619 = tpu.memref_squeeze %dma_start3A_618 : memref<1x1x!tpu.dma_semaphore, #tpu.memory_space<semaphore_mem>> -> memref<!tpu.dma_semaphore, #tpu.memory_space<semaphore_mem>>
      %dma_start3A_620 = arith.constant 576 : i32
      %dma_start3A_621 = arith.constant 0 : i32
      %dma_start3A_622 = tpu.memref_slice %arg10[%dma_start3A_615, %dma_start3A_620, %dma_start3A_621] : memref<2x1024x2048xf32, #tpu.memory_space<vmem>> -> memref<1x32x2048xf32, #tpu.memory_space<vmem>>
      %dma_start3A_623 = tpu.memref_squeeze %dma_start3A_622 : memref<1x32x2048xf32, #tpu.memory_space<vmem>> -> memref<32x2048xf32, #tpu.memory_space<vmem>>
      %dma_start3A_624 = arith.constant 576 : i32
      %dma_start3A_625 = arith.constant 0 : i32
      %dma_start3A_626 = tpu.memref_slice %arg3[%dma_start3A_614, %dma_start3A_624, %dma_start3A_625] : memref<8x1024x2048xf32, #tpu.memory_space<any>> -> memref<1x32x2048xf32, #tpu.memory_space<any>>
      %dma_start3A_627 = tpu.memref_squeeze %dma_start3A_626 : memref<1x32x2048xf32, #tpu.memory_space<any>> -> memref<32x2048xf32, #tpu.memory_space<any>>
      tpu.enqueue_dma source(%dma_start3A_627 : memref<32x2048xf32, #tpu.memory_space<any>>) target(%dma_start3A_623 : memref<32x2048xf32, #tpu.memory_space<vmem>>) target_semaphore(%dma_start3A_619 : memref<!tpu.dma_semaphore, #tpu.memory_space<semaphore_mem>>)
      %dma_start3A_628 = arith.constant 0 : i32
      %dma_start3A_629 = arith.constant 0 : i32
      %dma_start3A_630 = arith.constant 0 : i32
      %dma_start3A_631 = arith.constant 19 : i32
      %dma_start3A_632 = tpu.memref_slice %arg12[%dma_start3A_630, %dma_start3A_631] : memref<2x32x!tpu.dma_semaphore, #tpu.memory_space<semaphore_mem>> -> memref<1x1x!tpu.dma_semaphore, #tpu.memory_space<semaphore_mem>>
      %dma_start3A_633 = tpu.memref_squeeze %dma_start3A_632 : memref<1x1x!tpu.dma_semaphore, #tpu.memory_space<semaphore_mem>> -> memref<!tpu.dma_semaphore, #tpu.memory_space<semaphore_mem>>
      %dma_start3A_634 = arith.constant 608 : i32
      %dma_start3A_635 = arith.constant 0 : i32
      %dma_start3A_636 = tpu.memref_slice %arg10[%dma_start3A_629, %dma_start3A_634, %dma_start3A_635] : memref<2x1024x2048xf32, #tpu.memory_space<vmem>> -> memref<1x32x2048xf32, #tpu.memory_space<vmem>>
      %dma_start3A_637 = tpu.memref_squeeze %dma_start3A_636 : memref<1x32x2048xf32, #tpu.memory_space<vmem>> -> memref<32x2048xf32, #tpu.memory_space<vmem>>
      %dma_start3A_638 = arith.constant 608 : i32
      %dma_start3A_639 = arith.constant 0 : i32
      %dma_start3A_640 = tpu.memref_slice %arg3[%dma_start3A_628, %dma_start3A_638, %dma_start3A_639] : memref<8x1024x2048xf32, #tpu.memory_space<any>> -> memref<1x32x2048xf32, #tpu.memory_space<any>>
      %dma_start3A_641 = tpu.memref_squeeze %dma_start3A_640 : memref<1x32x2048xf32, #tpu.memory_space<any>> -> memref<32x2048xf32, #tpu.memory_space<any>>
      tpu.enqueue_dma source(%dma_start3A_641 : memref<32x2048xf32, #tpu.memory_space<any>>) target(%dma_start3A_637 : memref<32x2048xf32, #tpu.memory_space<vmem>>) target_semaphore(%dma_start3A_633 : memref<!tpu.dma_semaphore, #tpu.memory_space<semaphore_mem>>)
      %dma_start3A_642 = arith.constant 0 : i32
      %dma_start3A_643 = arith.constant 0 : i32
      %dma_start3A_644 = arith.constant 0 : i32
      %dma_start3A_645 = arith.constant 20 : i32
      %dma_start3A_646 = tpu.memref_slice %arg12[%dma_start3A_644, %dma_start3A_645] : memref<2x32x!tpu.dma_semaphore, #tpu.memory_space<semaphore_mem>> -> memref<1x1x!tpu.dma_semaphore, #tpu.memory_space<semaphore_mem>>
      %dma_start3A_647 = tpu.memref_squeeze %dma_start3A_646 : memref<1x1x!tpu.dma_semaphore, #tpu.memory_space<semaphore_mem>> -> memref<!tpu.dma_semaphore, #tpu.memory_space<semaphore_mem>>
      %dma_start3A_648 = arith.constant 640 : i32
      %dma_start3A_649 = arith.constant 0 : i32
      %dma_start3A_650 = tpu.memref_slice %arg10[%dma_start3A_643, %dma_start3A_648, %dma_start3A_649] : memref<2x1024x2048xf32, #tpu.memory_space<vmem>> -> memref<1x32x2048xf32, #tpu.memory_space<vmem>>
      %dma_start3A_651 = tpu.memref_squeeze %dma_start3A_650 : memref<1x32x2048xf32, #tpu.memory_space<vmem>> -> memref<32x2048xf32, #tpu.memory_space<vmem>>
      %dma_start3A_652 = arith.constant 640 : i32
      %dma_start3A_653 = arith.constant 0 : i32
      %dma_start3A_654 = tpu.memref_slice %arg3[%dma_start3A_642, %dma_start3A_652, %dma_start3A_653] : memref<8x1024x2048xf32, #tpu.memory_space<any>> -> memref<1x32x2048xf32, #tpu.memory_space<any>>
      %dma_start3A_655 = tpu.memref_squeeze %dma_start3A_654 : memref<1x32x2048xf32, #tpu.memory_space<any>> -> memref<32x2048xf32, #tpu.memory_space<any>>
      tpu.enqueue_dma source(%dma_start3A_655 : memref<32x2048xf32, #tpu.memory_space<any>>) target(%dma_start3A_651 : memref<32x2048xf32, #tpu.memory_space<vmem>>) target_semaphore(%dma_start3A_647 : memref<!tpu.dma_semaphore, #tpu.memory_space<semaphore_mem>>)
      %dma_start3A_656 = arith.constant 0 : i32
      %dma_start3A_657 = arith.constant 0 : i32
      %dma_start3A_658 = arith.constant 0 : i32
      %dma_start3A_659 = arith.constant 21 : i32
      %dma_start3A_660 = tpu.memref_slice %arg12[%dma_start3A_658, %dma_start3A_659] : memref<2x32x!tpu.dma_semaphore, #tpu.memory_space<semaphore_mem>> -> memref<1x1x!tpu.dma_semaphore, #tpu.memory_space<semaphore_mem>>
      %dma_start3A_661 = tpu.memref_squeeze %dma_start3A_660 : memref<1x1x!tpu.dma_semaphore, #tpu.memory_space<semaphore_mem>> -> memref<!tpu.dma_semaphore, #tpu.memory_space<semaphore_mem>>
      %dma_start3A_662 = arith.constant 672 : i32
      %dma_start3A_663 = arith.constant 0 : i32
      %dma_start3A_664 = tpu.memref_slice %arg10[%dma_start3A_657, %dma_start3A_662, %dma_start3A_663] : memref<2x1024x2048xf32, #tpu.memory_space<vmem>> -> memref<1x32x2048xf32, #tpu.memory_space<vmem>>
      %dma_start3A_665 = tpu.memref_squeeze %dma_start3A_664 : memref<1x32x2048xf32, #tpu.memory_space<vmem>> -> memref<32x2048xf32, #tpu.memory_space<vmem>>
      %dma_start3A_666 = arith.constant 672 : i32
      %dma_start3A_667 = arith.constant 0 : i32
      %dma_start3A_668 = tpu.memref_slice %arg3[%dma_start3A_656, %dma_start3A_666, %dma_start3A_667] : memref<8x1024x2048xf32, #tpu.memory_space<any>> -> memref<1x32x2048xf32, #tpu.memory_space<any>>
      %dma_start3A_669 = tpu.memref_squeeze %dma_start3A_668 : memref<1x32x2048xf32, #tpu.memory_space<any>> -> memref<32x2048xf32, #tpu.memory_space<any>>
      tpu.enqueue_dma source(%dma_start3A_669 : memref<32x2048xf32, #tpu.memory_space<any>>) target(%dma_start3A_665 : memref<32x2048xf32, #tpu.memory_space<vmem>>) target_semaphore(%dma_start3A_661 : memref<!tpu.dma_semaphore, #tpu.memory_space<semaphore_mem>>)
      %dma_start3A_670 = arith.constant 0 : i32
      %dma_start3A_671 = arith.constant 0 : i32
      %dma_start3A_672 = arith.constant 0 : i32
      %dma_start3A_673 = arith.constant 22 : i32
      %dma_start3A_674 = tpu.memref_slice %arg12[%dma_start3A_672, %dma_start3A_673] : memref<2x32x!tpu.dma_semaphore, #tpu.memory_space<semaphore_mem>> -> memref<1x1x!tpu.dma_semaphore, #tpu.memory_space<semaphore_mem>>
      %dma_start3A_675 = tpu.memref_squeeze %dma_start3A_674 : memref<1x1x!tpu.dma_semaphore, #tpu.memory_space<semaphore_mem>> -> memref<!tpu.dma_semaphore, #tpu.memory_space<semaphore_mem>>
      %dma_start3A_676 = arith.constant 704 : i32
      %dma_start3A_677 = arith.constant 0 : i32
      %dma_start3A_678 = tpu.memref_slice %arg10[%dma_start3A_671, %dma_start3A_676, %dma_start3A_677] : memref<2x1024x2048xf32, #tpu.memory_space<vmem>> -> memref<1x32x2048xf32, #tpu.memory_space<vmem>>
      %dma_start3A_679 = tpu.memref_squeeze %dma_start3A_678 : memref<1x32x2048xf32, #tpu.memory_space<vmem>> -> memref<32x2048xf32, #tpu.memory_space<vmem>>
      %dma_start3A_680 = arith.constant 704 : i32
      %dma_start3A_681 = arith.constant 0 : i32
      %dma_start3A_682 = tpu.memref_slice %arg3[%dma_start3A_670, %dma_start3A_680, %dma_start3A_681] : memref<8x1024x2048xf32, #tpu.memory_space<any>> -> memref<1x32x2048xf32, #tpu.memory_space<any>>
      %dma_start3A_683 = tpu.memref_squeeze %dma_start3A_682 : memref<1x32x2048xf32, #tpu.memory_space<any>> -> memref<32x2048xf32, #tpu.memory_space<any>>
      tpu.enqueue_dma source(%dma_start3A_683 : memref<32x2048xf32, #tpu.memory_space<any>>) target(%dma_start3A_679 : memref<32x2048xf32, #tpu.memory_space<vmem>>) target_semaphore(%dma_start3A_675 : memref<!tpu.dma_semaphore, #tpu.memory_space<semaphore_mem>>)
      %dma_start3A_684 = arith.constant 0 : i32
      %dma_start3A_685 = arith.constant 0 : i32
      %dma_start3A_686 = arith.constant 0 : i32
      %dma_start3A_687 = arith.constant 23 : i32
      %dma_start3A_688 = tpu.memref_slice %arg12[%dma_start3A_686, %dma_start3A_687] : memref<2x32x!tpu.dma_semaphore, #tpu.memory_space<semaphore_mem>> -> memref<1x1x!tpu.dma_semaphore, #tpu.memory_space<semaphore_mem>>
      %dma_start3A_689 = tpu.memref_squeeze %dma_start3A_688 : memref<1x1x!tpu.dma_semaphore, #tpu.memory_space<semaphore_mem>> -> memref<!tpu.dma_semaphore, #tpu.memory_space<semaphore_mem>>
      %dma_start3A_690 = arith.constant 736 : i32
      %dma_start3A_691 = arith.constant 0 : i32
      %dma_start3A_692 = tpu.memref_slice %arg10[%dma_start3A_685, %dma_start3A_690, %dma_start3A_691] : memref<2x1024x2048xf32, #tpu.memory_space<vmem>> -> memref<1x32x2048xf32, #tpu.memory_space<vmem>>
      %dma_start3A_693 = tpu.memref_squeeze %dma_start3A_692 : memref<1x32x2048xf32, #tpu.memory_space<vmem>> -> memref<32x2048xf32, #tpu.memory_space<vmem>>
      %dma_start3A_694 = arith.constant 736 : i32
      %dma_start3A_695 = arith.constant 0 : i32
      %dma_start3A_696 = tpu.memref_slice %arg3[%dma_start3A_684, %dma_start3A_694, %dma_start3A_695] : memref<8x1024x2048xf32, #tpu.memory_space<any>> -> memref<1x32x2048xf32, #tpu.memory_space<any>>
      %dma_start3A_697 = tpu.memref_squeeze %dma_start3A_696 : memref<1x32x2048xf32, #tpu.memory_space<any>> -> memref<32x2048xf32, #tpu.memory_space<any>>
      tpu.enqueue_dma source(%dma_start3A_697 : memref<32x2048xf32, #tpu.memory_space<any>>) target(%dma_start3A_693 : memref<32x2048xf32, #tpu.memory_space<vmem>>) target_semaphore(%dma_start3A_689 : memref<!tpu.dma_semaphore, #tpu.memory_space<semaphore_mem>>)
      %dma_start3A_698 = arith.constant 0 : i32
      %dma_start3A_699 = arith.constant 0 : i32
      %dma_start3A_700 = arith.constant 0 : i32
      %dma_start3A_701 = arith.constant 24 : i32
      %dma_start3A_702 = tpu.memref_slice %arg12[%dma_start3A_700, %dma_start3A_701] : memref<2x32x!tpu.dma_semaphore, #tpu.memory_space<semaphore_mem>> -> memref<1x1x!tpu.dma_semaphore, #tpu.memory_space<semaphore_mem>>
      %dma_start3A_703 = tpu.memref_squeeze %dma_start3A_702 : memref<1x1x!tpu.dma_semaphore, #tpu.memory_space<semaphore_mem>> -> memref<!tpu.dma_semaphore, #tpu.memory_space<semaphore_mem>>
      %dma_start3A_704 = arith.constant 768 : i32
      %dma_start3A_705 = arith.constant 0 : i32
      %dma_start3A_706 = tpu.memref_slice %arg10[%dma_start3A_699, %dma_start3A_704, %dma_start3A_705] : memref<2x1024x2048xf32, #tpu.memory_space<vmem>> -> memref<1x32x2048xf32, #tpu.memory_space<vmem>>
      %dma_start3A_707 = tpu.memref_squeeze %dma_start3A_706 : memref<1x32x2048xf32, #tpu.memory_space<vmem>> -> memref<32x2048xf32, #tpu.memory_space<vmem>>
      %dma_start3A_708 = arith.constant 768 : i32
      %dma_start3A_709 = arith.constant 0 : i32
      %dma_start3A_710 = tpu.memref_slice %arg3[%dma_start3A_698, %dma_start3A_708, %dma_start3A_709] : memref<8x1024x2048xf32, #tpu.memory_space<any>> -> memref<1x32x2048xf32, #tpu.memory_space<any>>
      %dma_start3A_711 = tpu.memref_squeeze %dma_start3A_710 : memref<1x32x2048xf32, #tpu.memory_space<any>> -> memref<32x2048xf32, #tpu.memory_space<any>>
      tpu.enqueue_dma source(%dma_start3A_711 : memref<32x2048xf32, #tpu.memory_space<any>>) target(%dma_start3A_707 : memref<32x2048xf32, #tpu.memory_space<vmem>>) target_semaphore(%dma_start3A_703 : memref<!tpu.dma_semaphore, #tpu.memory_space<semaphore_mem>>)
      %dma_start3A_712 = arith.constant 0 : i32
      %dma_start3A_713 = arith.constant 0 : i32
      %dma_start3A_714 = arith.constant 0 : i32
      %dma_start3A_715 = arith.constant 25 : i32
      %dma_start3A_716 = tpu.memref_slice %arg12[%dma_start3A_714, %dma_start3A_715] : memref<2x32x!tpu.dma_semaphore, #tpu.memory_space<semaphore_mem>> -> memref<1x1x!tpu.dma_semaphore, #tpu.memory_space<semaphore_mem>>
      %dma_start3A_717 = tpu.memref_squeeze %dma_start3A_716 : memref<1x1x!tpu.dma_semaphore, #tpu.memory_space<semaphore_mem>> -> memref<!tpu.dma_semaphore, #tpu.memory_space<semaphore_mem>>
      %dma_start3A_718 = arith.constant 800 : i32
      %dma_start3A_719 = arith.constant 0 : i32
      %dma_start3A_720 = tpu.memref_slice %arg10[%dma_start3A_713, %dma_start3A_718, %dma_start3A_719] : memref<2x1024x2048xf32, #tpu.memory_space<vmem>> -> memref<1x32x2048xf32, #tpu.memory_space<vmem>>
      %dma_start3A_721 = tpu.memref_squeeze %dma_start3A_720 : memref<1x32x2048xf32, #tpu.memory_space<vmem>> -> memref<32x2048xf32, #tpu.memory_space<vmem>>
      %dma_start3A_722 = arith.constant 800 : i32
      %dma_start3A_723 = arith.constant 0 : i32
      %dma_start3A_724 = tpu.memref_slice %arg3[%dma_start3A_712, %dma_start3A_722, %dma_start3A_723] : memref<8x1024x2048xf32, #tpu.memory_space<any>> -> memref<1x32x2048xf32, #tpu.memory_space<any>>
      %dma_start3A_725 = tpu.memref_squeeze %dma_start3A_724 : memref<1x32x2048xf32, #tpu.memory_space<any>> -> memref<32x2048xf32, #tpu.memory_space<any>>
      tpu.enqueue_dma source(%dma_start3A_725 : memref<32x2048xf32, #tpu.memory_space<any>>) target(%dma_start3A_721 : memref<32x2048xf32, #tpu.memory_space<vmem>>) target_semaphore(%dma_start3A_717 : memref<!tpu.dma_semaphore, #tpu.memory_space<semaphore_mem>>)
      %dma_start3A_726 = arith.constant 0 : i32
      %dma_start3A_727 = arith.constant 0 : i32
      %dma_start3A_728 = arith.constant 0 : i32
      %dma_start3A_729 = arith.constant 26 : i32
      %dma_start3A_730 = tpu.memref_slice %arg12[%dma_start3A_728, %dma_start3A_729] : memref<2x32x!tpu.dma_semaphore, #tpu.memory_space<semaphore_mem>> -> memref<1x1x!tpu.dma_semaphore, #tpu.memory_space<semaphore_mem>>
      %dma_start3A_731 = tpu.memref_squeeze %dma_start3A_730 : memref<1x1x!tpu.dma_semaphore, #tpu.memory_space<semaphore_mem>> -> memref<!tpu.dma_semaphore, #tpu.memory_space<semaphore_mem>>
      %dma_start3A_732 = arith.constant 832 : i32
      %dma_start3A_733 = arith.constant 0 : i32
      %dma_start3A_734 = tpu.memref_slice %arg10[%dma_start3A_727, %dma_start3A_732, %dma_start3A_733] : memref<2x1024x2048xf32, #tpu.memory_space<vmem>> -> memref<1x32x2048xf32, #tpu.memory_space<vmem>>
      %dma_start3A_735 = tpu.memref_squeeze %dma_start3A_734 : memref<1x32x2048xf32, #tpu.memory_space<vmem>> -> memref<32x2048xf32, #tpu.memory_space<vmem>>
      %dma_start3A_736 = arith.constant 832 : i32
      %dma_start3A_737 = arith.constant 0 : i32
      %dma_start3A_738 = tpu.memref_slice %arg3[%dma_start3A_726, %dma_start3A_736, %dma_start3A_737] : memref<8x1024x2048xf32, #tpu.memory_space<any>> -> memref<1x32x2048xf32, #tpu.memory_space<any>>
      %dma_start3A_739 = tpu.memref_squeeze %dma_start3A_738 : memref<1x32x2048xf32, #tpu.memory_space<any>> -> memref<32x2048xf32, #tpu.memory_space<any>>
      tpu.enqueue_dma source(%dma_start3A_739 : memref<32x2048xf32, #tpu.memory_space<any>>) target(%dma_start3A_735 : memref<32x2048xf32, #tpu.memory_space<vmem>>) target_semaphore(%dma_start3A_731 : memref<!tpu.dma_semaphore, #tpu.memory_space<semaphore_mem>>)
      %dma_start3A_740 = arith.constant 0 : i32
      %dma_start3A_741 = arith.constant 0 : i32
      %dma_start3A_742 = arith.constant 0 : i32
      %dma_start3A_743 = arith.constant 27 : i32
      %dma_start3A_744 = tpu.memref_slice %arg12[%dma_start3A_742, %dma_start3A_743] : memref<2x32x!tpu.dma_semaphore, #tpu.memory_space<semaphore_mem>> -> memref<1x1x!tpu.dma_semaphore, #tpu.memory_space<semaphore_mem>>
      %dma_start3A_745 = tpu.memref_squeeze %dma_start3A_744 : memref<1x1x!tpu.dma_semaphore, #tpu.memory_space<semaphore_mem>> -> memref<!tpu.dma_semaphore, #tpu.memory_space<semaphore_mem>>
      %dma_start3A_746 = arith.constant 864 : i32
      %dma_start3A_747 = arith.constant 0 : i32
      %dma_start3A_748 = tpu.memref_slice %arg10[%dma_start3A_741, %dma_start3A_746, %dma_start3A_747] : memref<2x1024x2048xf32, #tpu.memory_space<vmem>> -> memref<1x32x2048xf32, #tpu.memory_space<vmem>>
      %dma_start3A_749 = tpu.memref_squeeze %dma_start3A_748 : memref<1x32x2048xf32, #tpu.memory_space<vmem>> -> memref<32x2048xf32, #tpu.memory_space<vmem>>
      %dma_start3A_750 = arith.constant 864 : i32
      %dma_start3A_751 = arith.constant 0 : i32
      %dma_start3A_752 = tpu.memref_slice %arg3[%dma_start3A_740, %dma_start3A_750, %dma_start3A_751] : memref<8x1024x2048xf32, #tpu.memory_space<any>> -> memref<1x32x2048xf32, #tpu.memory_space<any>>
      %dma_start3A_753 = tpu.memref_squeeze %dma_start3A_752 : memref<1x32x2048xf32, #tpu.memory_space<any>> -> memref<32x2048xf32, #tpu.memory_space<any>>
      tpu.enqueue_dma source(%dma_start3A_753 : memref<32x2048xf32, #tpu.memory_space<any>>) target(%dma_start3A_749 : memref<32x2048xf32, #tpu.memory_space<vmem>>) target_semaphore(%dma_start3A_745 : memref<!tpu.dma_semaphore, #tpu.memory_space<semaphore_mem>>)
      %dma_start3A_754 = arith.constant 0 : i32
      %dma_start3A_755 = arith.constant 0 : i32
      %dma_start3A_756 = arith.constant 0 : i32
      %dma_start3A_757 = arith.constant 28 : i32
      %dma_start3A_758 = tpu.memref_slice %arg12[%dma_start3A_756, %dma_start3A_757] : memref<2x32x!tpu.dma_semaphore, #tpu.memory_space<semaphore_mem>> -> memref<1x1x!tpu.dma_semaphore, #tpu.memory_space<semaphore_mem>>
      %dma_start3A_759 = tpu.memref_squeeze %dma_start3A_758 : memref<1x1x!tpu.dma_semaphore, #tpu.memory_space<semaphore_mem>> -> memref<!tpu.dma_semaphore, #tpu.memory_space<semaphore_mem>>
      %dma_start3A_760 = arith.constant 896 : i32
      %dma_start3A_761 = arith.constant 0 : i32
      %dma_start3A_762 = tpu.memref_slice %arg10[%dma_start3A_755, %dma_start3A_760, %dma_start3A_761] : memref<2x1024x2048xf32, #tpu.memory_space<vmem>> -> memref<1x32x2048xf32, #tpu.memory_space<vmem>>
      %dma_start3A_763 = tpu.memref_squeeze %dma_start3A_762 : memref<1x32x2048xf32, #tpu.memory_space<vmem>> -> memref<32x2048xf32, #tpu.memory_space<vmem>>
      %dma_start3A_764 = arith.constant 896 : i32
      %dma_start3A_765 = arith.constant 0 : i32
      %dma_start3A_766 = tpu.memref_slice %arg3[%dma_start3A_754, %dma_start3A_764, %dma_start3A_765] : memref<8x1024x2048xf32, #tpu.memory_space<any>> -> memref<1x32x2048xf32, #tpu.memory_space<any>>
      %dma_start3A_767 = tpu.memref_squeeze %dma_start3A_766 : memref<1x32x2048xf32, #tpu.memory_space<any>> -> memref<32x2048xf32, #tpu.memory_space<any>>
      tpu.enqueue_dma source(%dma_start3A_767 : memref<32x2048xf32, #tpu.memory_space<any>>) target(%dma_start3A_763 : memref<32x2048xf32, #tpu.memory_space<vmem>>) target_semaphore(%dma_start3A_759 : memref<!tpu.dma_semaphore, #tpu.memory_space<semaphore_mem>>)
      %dma_start3A_768 = arith.constant 0 : i32
      %dma_start3A_769 = arith.constant 0 : i32
      %dma_start3A_770 = arith.constant 0 : i32
      %dma_start3A_771 = arith.constant 29 : i32
      %dma_start3A_772 = tpu.memref_slice %arg12[%dma_start3A_770, %dma_start3A_771] : memref<2x32x!tpu.dma_semaphore, #tpu.memory_space<semaphore_mem>> -> memref<1x1x!tpu.dma_semaphore, #tpu.memory_space<semaphore_mem>>
      %dma_start3A_773 = tpu.memref_squeeze %dma_start3A_772 : memref<1x1x!tpu.dma_semaphore, #tpu.memory_space<semaphore_mem>> -> memref<!tpu.dma_semaphore, #tpu.memory_space<semaphore_mem>>
      %dma_start3A_774 = arith.constant 928 : i32
      %dma_start3A_775 = arith.constant 0 : i32
      %dma_start3A_776 = tpu.memref_slice %arg10[%dma_start3A_769, %dma_start3A_774, %dma_start3A_775] : memref<2x1024x2048xf32, #tpu.memory_space<vmem>> -> memref<1x32x2048xf32, #tpu.memory_space<vmem>>
      %dma_start3A_777 = tpu.memref_squeeze %dma_start3A_776 : memref<1x32x2048xf32, #tpu.memory_space<vmem>> -> memref<32x2048xf32, #tpu.memory_space<vmem>>
      %dma_start3A_778 = arith.constant 928 : i32
      %dma_start3A_779 = arith.constant 0 : i32
      %dma_start3A_780 = tpu.memref_slice %arg3[%dma_start3A_768, %dma_start3A_778, %dma_start3A_779] : memref<8x1024x2048xf32, #tpu.memory_space<any>> -> memref<1x32x2048xf32, #tpu.memory_space<any>>
      %dma_start3A_781 = tpu.memref_squeeze %dma_start3A_780 : memref<1x32x2048xf32, #tpu.memory_space<any>> -> memref<32x2048xf32, #tpu.memory_space<any>>
      tpu.enqueue_dma source(%dma_start3A_781 : memref<32x2048xf32, #tpu.memory_space<any>>) target(%dma_start3A_777 : memref<32x2048xf32, #tpu.memory_space<vmem>>) target_semaphore(%dma_start3A_773 : memref<!tpu.dma_semaphore, #tpu.memory_space<semaphore_mem>>)
      %dma_start3A_782 = arith.constant 0 : i32
      %dma_start3A_783 = arith.constant 0 : i32
      %dma_start3A_784 = arith.constant 0 : i32
      %dma_start3A_785 = arith.constant 30 : i32
      %dma_start3A_786 = tpu.memref_slice %arg12[%dma_start3A_784, %dma_start3A_785] : memref<2x32x!tpu.dma_semaphore, #tpu.memory_space<semaphore_mem>> -> memref<1x1x!tpu.dma_semaphore, #tpu.memory_space<semaphore_mem>>
      %dma_start3A_787 = tpu.memref_squeeze %dma_start3A_786 : memref<1x1x!tpu.dma_semaphore, #tpu.memory_space<semaphore_mem>> -> memref<!tpu.dma_semaphore, #tpu.memory_space<semaphore_mem>>
      %dma_start3A_788 = arith.constant 960 : i32
      %dma_start3A_789 = arith.constant 0 : i32
      %dma_start3A_790 = tpu.memref_slice %arg10[%dma_start3A_783, %dma_start3A_788, %dma_start3A_789] : memref<2x1024x2048xf32, #tpu.memory_space<vmem>> -> memref<1x32x2048xf32, #tpu.memory_space<vmem>>
      %dma_start3A_791 = tpu.memref_squeeze %dma_start3A_790 : memref<1x32x2048xf32, #tpu.memory_space<vmem>> -> memref<32x2048xf32, #tpu.memory_space<vmem>>
      %dma_start3A_792 = arith.constant 960 : i32
      %dma_start3A_793 = arith.constant 0 : i32
      %dma_start3A_794 = tpu.memref_slice %arg3[%dma_start3A_782, %dma_start3A_792, %dma_start3A_793] : memref<8x1024x2048xf32, #tpu.memory_space<any>> -> memref<1x32x2048xf32, #tpu.memory_space<any>>
      %dma_start3A_795 = tpu.memref_squeeze %dma_start3A_794 : memref<1x32x2048xf32, #tpu.memory_space<any>> -> memref<32x2048xf32, #tpu.memory_space<any>>
      tpu.enqueue_dma source(%dma_start3A_795 : memref<32x2048xf32, #tpu.memory_space<any>>) target(%dma_start3A_791 : memref<32x2048xf32, #tpu.memory_space<vmem>>) target_semaphore(%dma_start3A_787 : memref<!tpu.dma_semaphore, #tpu.memory_space<semaphore_mem>>)
      %dma_start3A_796 = arith.constant 0 : i32
      %dma_start3A_797 = arith.constant 0 : i32
      %dma_start3A_798 = arith.constant 0 : i32
      %dma_start3A_799 = arith.constant 31 : i32
      %dma_start3A_800 = tpu.memref_slice %arg12[%dma_start3A_798, %dma_start3A_799] : memref<2x32x!tpu.dma_semaphore, #tpu.memory_space<semaphore_mem>> -> memref<1x1x!tpu.dma_semaphore, #tpu.memory_space<semaphore_mem>>
      %dma_start3A_801 = tpu.memref_squeeze %dma_start3A_800 : memref<1x1x!tpu.dma_semaphore, #tpu.memory_space<semaphore_mem>> -> memref<!tpu.dma_semaphore, #tpu.memory_space<semaphore_mem>>
      %dma_start3A_802 = arith.constant 992 : i32
      %dma_start3A_803 = arith.constant 0 : i32
      %dma_start3A_804 = tpu.memref_slice %arg10[%dma_start3A_797, %dma_start3A_802, %dma_start3A_803] : memref<2x1024x2048xf32, #tpu.memory_space<vmem>> -> memref<1x32x2048xf32, #tpu.memory_space<vmem>>
      %dma_start3A_805 = tpu.memref_squeeze %dma_start3A_804 : memref<1x32x2048xf32, #tpu.memory_space<vmem>> -> memref<32x2048xf32, #tpu.memory_space<vmem>>
      %dma_start3A_806 = arith.constant 992 : i32
      %dma_start3A_807 = arith.constant 0 : i32
      %dma_start3A_808 = tpu.memref_slice %arg3[%dma_start3A_796, %dma_start3A_806, %dma_start3A_807] : memref<8x1024x2048xf32, #tpu.memory_space<any>> -> memref<1x32x2048xf32, #tpu.memory_space<any>>
      %dma_start3A_809 = tpu.memref_squeeze %dma_start3A_808 : memref<1x32x2048xf32, #tpu.memory_space<any>> -> memref<32x2048xf32, #tpu.memory_space<any>>
      tpu.enqueue_dma source(%dma_start3A_809 : memref<32x2048xf32, #tpu.memory_space<any>>) target(%dma_start3A_805 : memref<32x2048xf32, #tpu.memory_space<vmem>>) target_semaphore(%dma_start3A_801 : memref<!tpu.dma_semaphore, #tpu.memory_space<semaphore_mem>>)
      tpu.wait_dma2 semaphore(%arg13 : memref<!tpu.dma_semaphore, #tpu.memory_space<semaphore_mem>>) src(%arg1 : memref<48xi32, #tpu.memory_space<any>>) dst(%arg11 : memref<48xi32, #tpu.memory_space<smem>>)
    } else {
    }
    %add3A_6 = arith.constant 1 : i32
    %add3A_7 = arith.addi %arg0, %add3A_6 : i32
    %lt3A = arith.constant 8 : i32
    %lt3A_8 = arith.cmpi slt, %add3A_7, %lt3A : i32
    %convert_element_type3A_9 = arith.extui %lt3A_8 : i1 to i32
    %cond3A_10 = arith.constant 0 : i32
    %cond3A_11 = arith.cmpi ne, %convert_element_type3A_9, %cond3A_10 : i32
    scf.if %cond3A_11 {
      %add3A_363 = arith.constant 1 : i32
      %add3A_364 = arith.addi %arg0, %add3A_363 : i32
      %dma_start3A = arith.constant 0 : i32
      %dma_start3A_365 = tpu.memref_slice %arg12[%rem3A_3, %dma_start3A] : memref<2x32x!tpu.dma_semaphore, #tpu.memory_space<semaphore_mem>> -> memref<1x1x!tpu.dma_semaphore, #tpu.memory_space<semaphore_mem>>
      %dma_start3A_366 = tpu.memref_squeeze %dma_start3A_365 : memref<1x1x!tpu.dma_semaphore, #tpu.memory_space<semaphore_mem>> -> memref<!tpu.dma_semaphore, #tpu.memory_space<semaphore_mem>>
      %dma_start3A_367 = arith.constant 0 : i32
      %dma_start3A_368 = arith.constant 0 : i32
      %dma_start3A_369 = tpu.memref_slice %arg10[%rem3A_3, %dma_start3A_367, %dma_start3A_368] : memref<2x1024x2048xf32, #tpu.memory_space<vmem>> -> memref<1x32x2048xf32, #tpu.memory_space<vmem>>
      %dma_start3A_370 = tpu.memref_squeeze %dma_start3A_369 : memref<1x32x2048xf32, #tpu.memory_space<vmem>> -> memref<32x2048xf32, #tpu.memory_space<vmem>>
      %dma_start3A_371 = arith.constant 0 : i32
      %dma_start3A_372 = arith.constant 0 : i32
      %dma_start3A_373 = tpu.memref_slice %arg3[%add3A_364, %dma_start3A_371, %dma_start3A_372] : memref<8x1024x2048xf32, #tpu.memory_space<any>> -> memref<1x32x2048xf32, #tpu.memory_space<any>>
      %dma_start3A_374 = tpu.memref_squeeze %dma_start3A_373 : memref<1x32x2048xf32, #tpu.memory_space<any>> -> memref<32x2048xf32, #tpu.memory_space<any>>
      tpu.enqueue_dma source(%dma_start3A_374 : memref<32x2048xf32, #tpu.memory_space<any>>) target(%dma_start3A_370 : memref<32x2048xf32, #tpu.memory_space<vmem>>) target_semaphore(%dma_start3A_366 : memref<!tpu.dma_semaphore, #tpu.memory_space<semaphore_mem>>)
      %add3A_375 = arith.constant 1 : i32
      %add3A_376 = arith.addi %arg0, %add3A_375 : i32
      %dma_start3A_377 = arith.constant 1 : i32
      %dma_start3A_378 = tpu.memref_slice %arg12[%rem3A_3, %dma_start3A_377] : memref<2x32x!tpu.dma_semaphore, #tpu.memory_space<semaphore_mem>> -> memref<1x1x!tpu.dma_semaphore, #tpu.memory_space<semaphore_mem>>
      %dma_start3A_379 = tpu.memref_squeeze %dma_start3A_378 : memref<1x1x!tpu.dma_semaphore, #tpu.memory_space<semaphore_mem>> -> memref<!tpu.dma_semaphore, #tpu.memory_space<semaphore_mem>>
      %dma_start3A_380 = arith.constant 32 : i32
      %dma_start3A_381 = arith.constant 0 : i32
      %dma_start3A_382 = tpu.memref_slice %arg10[%rem3A_3, %dma_start3A_380, %dma_start3A_381] : memref<2x1024x2048xf32, #tpu.memory_space<vmem>> -> memref<1x32x2048xf32, #tpu.memory_space<vmem>>
      %dma_start3A_383 = tpu.memref_squeeze %dma_start3A_382 : memref<1x32x2048xf32, #tpu.memory_space<vmem>> -> memref<32x2048xf32, #tpu.memory_space<vmem>>
      %dma_start3A_384 = arith.constant 32 : i32
      %dma_start3A_385 = arith.constant 0 : i32
      %dma_start3A_386 = tpu.memref_slice %arg3[%add3A_376, %dma_start3A_384, %dma_start3A_385] : memref<8x1024x2048xf32, #tpu.memory_space<any>> -> memref<1x32x2048xf32, #tpu.memory_space<any>>
      %dma_start3A_387 = tpu.memref_squeeze %dma_start3A_386 : memref<1x32x2048xf32, #tpu.memory_space<any>> -> memref<32x2048xf32, #tpu.memory_space<any>>
      tpu.enqueue_dma source(%dma_start3A_387 : memref<32x2048xf32, #tpu.memory_space<any>>) target(%dma_start3A_383 : memref<32x2048xf32, #tpu.memory_space<vmem>>) target_semaphore(%dma_start3A_379 : memref<!tpu.dma_semaphore, #tpu.memory_space<semaphore_mem>>)
      %add3A_388 = arith.constant 1 : i32
      %add3A_389 = arith.addi %arg0, %add3A_388 : i32
      %dma_start3A_390 = arith.constant 2 : i32
      %dma_start3A_391 = tpu.memref_slice %arg12[%rem3A_3, %dma_start3A_390] : memref<2x32x!tpu.dma_semaphore, #tpu.memory_space<semaphore_mem>> -> memref<1x1x!tpu.dma_semaphore, #tpu.memory_space<semaphore_mem>>
      %dma_start3A_392 = tpu.memref_squeeze %dma_start3A_391 : memref<1x1x!tpu.dma_semaphore, #tpu.memory_space<semaphore_mem>> -> memref<!tpu.dma_semaphore, #tpu.memory_space<semaphore_mem>>
      %dma_start3A_393 = arith.constant 64 : i32
      %dma_start3A_394 = arith.constant 0 : i32
      %dma_start3A_395 = tpu.memref_slice %arg10[%rem3A_3, %dma_start3A_393, %dma_start3A_394] : memref<2x1024x2048xf32, #tpu.memory_space<vmem>> -> memref<1x32x2048xf32, #tpu.memory_space<vmem>>
      %dma_start3A_396 = tpu.memref_squeeze %dma_start3A_395 : memref<1x32x2048xf32, #tpu.memory_space<vmem>> -> memref<32x2048xf32, #tpu.memory_space<vmem>>
      %dma_start3A_397 = arith.constant 64 : i32
      %dma_start3A_398 = arith.constant 0 : i32
      %dma_start3A_399 = tpu.memref_slice %arg3[%add3A_389, %dma_start3A_397, %dma_start3A_398] : memref<8x1024x2048xf32, #tpu.memory_space<any>> -> memref<1x32x2048xf32, #tpu.memory_space<any>>
      %dma_start3A_400 = tpu.memref_squeeze %dma_start3A_399 : memref<1x32x2048xf32, #tpu.memory_space<any>> -> memref<32x2048xf32, #tpu.memory_space<any>>
      tpu.enqueue_dma source(%dma_start3A_400 : memref<32x2048xf32, #tpu.memory_space<any>>) target(%dma_start3A_396 : memref<32x2048xf32, #tpu.memory_space<vmem>>) target_semaphore(%dma_start3A_392 : memref<!tpu.dma_semaphore, #tpu.memory_space<semaphore_mem>>)
      %add3A_401 = arith.constant 1 : i32
      %add3A_402 = arith.addi %arg0, %add3A_401 : i32
      %dma_start3A_403 = arith.constant 3 : i32
      %dma_start3A_404 = tpu.memref_slice %arg12[%rem3A_3, %dma_start3A_403] : memref<2x32x!tpu.dma_semaphore, #tpu.memory_space<semaphore_mem>> -> memref<1x1x!tpu.dma_semaphore, #tpu.memory_space<semaphore_mem>>
      %dma_start3A_405 = tpu.memref_squeeze %dma_start3A_404 : memref<1x1x!tpu.dma_semaphore, #tpu.memory_space<semaphore_mem>> -> memref<!tpu.dma_semaphore, #tpu.memory_space<semaphore_mem>>
      %dma_start3A_406 = arith.constant 96 : i32
      %dma_start3A_407 = arith.constant 0 : i32
      %dma_start3A_408 = tpu.memref_slice %arg10[%rem3A_3, %dma_start3A_406, %dma_start3A_407] : memref<2x1024x2048xf32, #tpu.memory_space<vmem>> -> memref<1x32x2048xf32, #tpu.memory_space<vmem>>
      %dma_start3A_409 = tpu.memref_squeeze %dma_start3A_408 : memref<1x32x2048xf32, #tpu.memory_space<vmem>> -> memref<32x2048xf32, #tpu.memory_space<vmem>>
      %dma_start3A_410 = arith.constant 96 : i32
      %dma_start3A_411 = arith.constant 0 : i32
      %dma_start3A_412 = tpu.memref_slice %arg3[%add3A_402, %dma_start3A_410, %dma_start3A_411] : memref<8x1024x2048xf32, #tpu.memory_space<any>> -> memref<1x32x2048xf32, #tpu.memory_space<any>>
      %dma_start3A_413 = tpu.memref_squeeze %dma_start3A_412 : memref<1x32x2048xf32, #tpu.memory_space<any>> -> memref<32x2048xf32, #tpu.memory_space<any>>
      tpu.enqueue_dma source(%dma_start3A_413 : memref<32x2048xf32, #tpu.memory_space<any>>) target(%dma_start3A_409 : memref<32x2048xf32, #tpu.memory_space<vmem>>) target_semaphore(%dma_start3A_405 : memref<!tpu.dma_semaphore, #tpu.memory_space<semaphore_mem>>)
      %add3A_414 = arith.constant 1 : i32
      %add3A_415 = arith.addi %arg0, %add3A_414 : i32
      %dma_start3A_416 = arith.constant 4 : i32
      %dma_start3A_417 = tpu.memref_slice %arg12[%rem3A_3, %dma_start3A_416] : memref<2x32x!tpu.dma_semaphore, #tpu.memory_space<semaphore_mem>> -> memref<1x1x!tpu.dma_semaphore, #tpu.memory_space<semaphore_mem>>
      %dma_start3A_418 = tpu.memref_squeeze %dma_start3A_417 : memref<1x1x!tpu.dma_semaphore, #tpu.memory_space<semaphore_mem>> -> memref<!tpu.dma_semaphore, #tpu.memory_space<semaphore_mem>>
      %dma_start3A_419 = arith.constant 128 : i32
      %dma_start3A_420 = arith.constant 0 : i32
      %dma_start3A_421 = tpu.memref_slice %arg10[%rem3A_3, %dma_start3A_419, %dma_start3A_420] : memref<2x1024x2048xf32, #tpu.memory_space<vmem>> -> memref<1x32x2048xf32, #tpu.memory_space<vmem>>
      %dma_start3A_422 = tpu.memref_squeeze %dma_start3A_421 : memref<1x32x2048xf32, #tpu.memory_space<vmem>> -> memref<32x2048xf32, #tpu.memory_space<vmem>>
      %dma_start3A_423 = arith.constant 128 : i32
      %dma_start3A_424 = arith.constant 0 : i32
      %dma_start3A_425 = tpu.memref_slice %arg3[%add3A_415, %dma_start3A_423, %dma_start3A_424] : memref<8x1024x2048xf32, #tpu.memory_space<any>> -> memref<1x32x2048xf32, #tpu.memory_space<any>>
      %dma_start3A_426 = tpu.memref_squeeze %dma_start3A_425 : memref<1x32x2048xf32, #tpu.memory_space<any>> -> memref<32x2048xf32, #tpu.memory_space<any>>
      tpu.enqueue_dma source(%dma_start3A_426 : memref<32x2048xf32, #tpu.memory_space<any>>) target(%dma_start3A_422 : memref<32x2048xf32, #tpu.memory_space<vmem>>) target_semaphore(%dma_start3A_418 : memref<!tpu.dma_semaphore, #tpu.memory_space<semaphore_mem>>)
      %add3A_427 = arith.constant 1 : i32
      %add3A_428 = arith.addi %arg0, %add3A_427 : i32
      %dma_start3A_429 = arith.constant 5 : i32
      %dma_start3A_430 = tpu.memref_slice %arg12[%rem3A_3, %dma_start3A_429] : memref<2x32x!tpu.dma_semaphore, #tpu.memory_space<semaphore_mem>> -> memref<1x1x!tpu.dma_semaphore, #tpu.memory_space<semaphore_mem>>
      %dma_start3A_431 = tpu.memref_squeeze %dma_start3A_430 : memref<1x1x!tpu.dma_semaphore, #tpu.memory_space<semaphore_mem>> -> memref<!tpu.dma_semaphore, #tpu.memory_space<semaphore_mem>>
      %dma_start3A_432 = arith.constant 160 : i32
      %dma_start3A_433 = arith.constant 0 : i32
      %dma_start3A_434 = tpu.memref_slice %arg10[%rem3A_3, %dma_start3A_432, %dma_start3A_433] : memref<2x1024x2048xf32, #tpu.memory_space<vmem>> -> memref<1x32x2048xf32, #tpu.memory_space<vmem>>
      %dma_start3A_435 = tpu.memref_squeeze %dma_start3A_434 : memref<1x32x2048xf32, #tpu.memory_space<vmem>> -> memref<32x2048xf32, #tpu.memory_space<vmem>>
      %dma_start3A_436 = arith.constant 160 : i32
      %dma_start3A_437 = arith.constant 0 : i32
      %dma_start3A_438 = tpu.memref_slice %arg3[%add3A_428, %dma_start3A_436, %dma_start3A_437] : memref<8x1024x2048xf32, #tpu.memory_space<any>> -> memref<1x32x2048xf32, #tpu.memory_space<any>>
      %dma_start3A_439 = tpu.memref_squeeze %dma_start3A_438 : memref<1x32x2048xf32, #tpu.memory_space<any>> -> memref<32x2048xf32, #tpu.memory_space<any>>
      tpu.enqueue_dma source(%dma_start3A_439 : memref<32x2048xf32, #tpu.memory_space<any>>) target(%dma_start3A_435 : memref<32x2048xf32, #tpu.memory_space<vmem>>) target_semaphore(%dma_start3A_431 : memref<!tpu.dma_semaphore, #tpu.memory_space<semaphore_mem>>)
      %add3A_440 = arith.constant 1 : i32
      %add3A_441 = arith.addi %arg0, %add3A_440 : i32
      %dma_start3A_442 = arith.constant 6 : i32
      %dma_start3A_443 = tpu.memref_slice %arg12[%rem3A_3, %dma_start3A_442] : memref<2x32x!tpu.dma_semaphore, #tpu.memory_space<semaphore_mem>> -> memref<1x1x!tpu.dma_semaphore, #tpu.memory_space<semaphore_mem>>
      %dma_start3A_444 = tpu.memref_squeeze %dma_start3A_443 : memref<1x1x!tpu.dma_semaphore, #tpu.memory_space<semaphore_mem>> -> memref<!tpu.dma_semaphore, #tpu.memory_space<semaphore_mem>>
      %dma_start3A_445 = arith.constant 192 : i32
      %dma_start3A_446 = arith.constant 0 : i32
      %dma_start3A_447 = tpu.memref_slice %arg10[%rem3A_3, %dma_start3A_445, %dma_start3A_446] : memref<2x1024x2048xf32, #tpu.memory_space<vmem>> -> memref<1x32x2048xf32, #tpu.memory_space<vmem>>
      %dma_start3A_448 = tpu.memref_squeeze %dma_start3A_447 : memref<1x32x2048xf32, #tpu.memory_space<vmem>> -> memref<32x2048xf32, #tpu.memory_space<vmem>>
      %dma_start3A_449 = arith.constant 192 : i32
      %dma_start3A_450 = arith.constant 0 : i32
      %dma_start3A_451 = tpu.memref_slice %arg3[%add3A_441, %dma_start3A_449, %dma_start3A_450] : memref<8x1024x2048xf32, #tpu.memory_space<any>> -> memref<1x32x2048xf32, #tpu.memory_space<any>>
      %dma_start3A_452 = tpu.memref_squeeze %dma_start3A_451 : memref<1x32x2048xf32, #tpu.memory_space<any>> -> memref<32x2048xf32, #tpu.memory_space<any>>
      tpu.enqueue_dma source(%dma_start3A_452 : memref<32x2048xf32, #tpu.memory_space<any>>) target(%dma_start3A_448 : memref<32x2048xf32, #tpu.memory_space<vmem>>) target_semaphore(%dma_start3A_444 : memref<!tpu.dma_semaphore, #tpu.memory_space<semaphore_mem>>)
      %add3A_453 = arith.constant 1 : i32
      %add3A_454 = arith.addi %arg0, %add3A_453 : i32
      %dma_start3A_455 = arith.constant 7 : i32
      %dma_start3A_456 = tpu.memref_slice %arg12[%rem3A_3, %dma_start3A_455] : memref<2x32x!tpu.dma_semaphore, #tpu.memory_space<semaphore_mem>> -> memref<1x1x!tpu.dma_semaphore, #tpu.memory_space<semaphore_mem>>
      %dma_start3A_457 = tpu.memref_squeeze %dma_start3A_456 : memref<1x1x!tpu.dma_semaphore, #tpu.memory_space<semaphore_mem>> -> memref<!tpu.dma_semaphore, #tpu.memory_space<semaphore_mem>>
      %dma_start3A_458 = arith.constant 224 : i32
      %dma_start3A_459 = arith.constant 0 : i32
      %dma_start3A_460 = tpu.memref_slice %arg10[%rem3A_3, %dma_start3A_458, %dma_start3A_459] : memref<2x1024x2048xf32, #tpu.memory_space<vmem>> -> memref<1x32x2048xf32, #tpu.memory_space<vmem>>
      %dma_start3A_461 = tpu.memref_squeeze %dma_start3A_460 : memref<1x32x2048xf32, #tpu.memory_space<vmem>> -> memref<32x2048xf32, #tpu.memory_space<vmem>>
      %dma_start3A_462 = arith.constant 224 : i32
      %dma_start3A_463 = arith.constant 0 : i32
      %dma_start3A_464 = tpu.memref_slice %arg3[%add3A_454, %dma_start3A_462, %dma_start3A_463] : memref<8x1024x2048xf32, #tpu.memory_space<any>> -> memref<1x32x2048xf32, #tpu.memory_space<any>>
      %dma_start3A_465 = tpu.memref_squeeze %dma_start3A_464 : memref<1x32x2048xf32, #tpu.memory_space<any>> -> memref<32x2048xf32, #tpu.memory_space<any>>
      tpu.enqueue_dma source(%dma_start3A_465 : memref<32x2048xf32, #tpu.memory_space<any>>) target(%dma_start3A_461 : memref<32x2048xf32, #tpu.memory_space<vmem>>) target_semaphore(%dma_start3A_457 : memref<!tpu.dma_semaphore, #tpu.memory_space<semaphore_mem>>)
      %add3A_466 = arith.constant 1 : i32
      %add3A_467 = arith.addi %arg0, %add3A_466 : i32
      %dma_start3A_468 = arith.constant 8 : i32
      %dma_start3A_469 = tpu.memref_slice %arg12[%rem3A_3, %dma_start3A_468] : memref<2x32x!tpu.dma_semaphore, #tpu.memory_space<semaphore_mem>> -> memref<1x1x!tpu.dma_semaphore, #tpu.memory_space<semaphore_mem>>
      %dma_start3A_470 = tpu.memref_squeeze %dma_start3A_469 : memref<1x1x!tpu.dma_semaphore, #tpu.memory_space<semaphore_mem>> -> memref<!tpu.dma_semaphore, #tpu.memory_space<semaphore_mem>>
      %dma_start3A_471 = arith.constant 256 : i32
      %dma_start3A_472 = arith.constant 0 : i32
      %dma_start3A_473 = tpu.memref_slice %arg10[%rem3A_3, %dma_start3A_471, %dma_start3A_472] : memref<2x1024x2048xf32, #tpu.memory_space<vmem>> -> memref<1x32x2048xf32, #tpu.memory_space<vmem>>
      %dma_start3A_474 = tpu.memref_squeeze %dma_start3A_473 : memref<1x32x2048xf32, #tpu.memory_space<vmem>> -> memref<32x2048xf32, #tpu.memory_space<vmem>>
      %dma_start3A_475 = arith.constant 256 : i32
      %dma_start3A_476 = arith.constant 0 : i32
      %dma_start3A_477 = tpu.memref_slice %arg3[%add3A_467, %dma_start3A_475, %dma_start3A_476] : memref<8x1024x2048xf32, #tpu.memory_space<any>> -> memref<1x32x2048xf32, #tpu.memory_space<any>>
      %dma_start3A_478 = tpu.memref_squeeze %dma_start3A_477 : memref<1x32x2048xf32, #tpu.memory_space<any>> -> memref<32x2048xf32, #tpu.memory_space<any>>
      tpu.enqueue_dma source(%dma_start3A_478 : memref<32x2048xf32, #tpu.memory_space<any>>) target(%dma_start3A_474 : memref<32x2048xf32, #tpu.memory_space<vmem>>) target_semaphore(%dma_start3A_470 : memref<!tpu.dma_semaphore, #tpu.memory_space<semaphore_mem>>)
      %add3A_479 = arith.constant 1 : i32
      %add3A_480 = arith.addi %arg0, %add3A_479 : i32
      %dma_start3A_481 = arith.constant 9 : i32
      %dma_start3A_482 = tpu.memref_slice %arg12[%rem3A_3, %dma_start3A_481] : memref<2x32x!tpu.dma_semaphore, #tpu.memory_space<semaphore_mem>> -> memref<1x1x!tpu.dma_semaphore, #tpu.memory_space<semaphore_mem>>
      %dma_start3A_483 = tpu.memref_squeeze %dma_start3A_482 : memref<1x1x!tpu.dma_semaphore, #tpu.memory_space<semaphore_mem>> -> memref<!tpu.dma_semaphore, #tpu.memory_space<semaphore_mem>>
      %dma_start3A_484 = arith.constant 288 : i32
      %dma_start3A_485 = arith.constant 0 : i32
      %dma_start3A_486 = tpu.memref_slice %arg10[%rem3A_3, %dma_start3A_484, %dma_start3A_485] : memref<2x1024x2048xf32, #tpu.memory_space<vmem>> -> memref<1x32x2048xf32, #tpu.memory_space<vmem>>
      %dma_start3A_487 = tpu.memref_squeeze %dma_start3A_486 : memref<1x32x2048xf32, #tpu.memory_space<vmem>> -> memref<32x2048xf32, #tpu.memory_space<vmem>>
      %dma_start3A_488 = arith.constant 288 : i32
      %dma_start3A_489 = arith.constant 0 : i32
      %dma_start3A_490 = tpu.memref_slice %arg3[%add3A_480, %dma_start3A_488, %dma_start3A_489] : memref<8x1024x2048xf32, #tpu.memory_space<any>> -> memref<1x32x2048xf32, #tpu.memory_space<any>>
      %dma_start3A_491 = tpu.memref_squeeze %dma_start3A_490 : memref<1x32x2048xf32, #tpu.memory_space<any>> -> memref<32x2048xf32, #tpu.memory_space<any>>
      tpu.enqueue_dma source(%dma_start3A_491 : memref<32x2048xf32, #tpu.memory_space<any>>) target(%dma_start3A_487 : memref<32x2048xf32, #tpu.memory_space<vmem>>) target_semaphore(%dma_start3A_483 : memref<!tpu.dma_semaphore, #tpu.memory_space<semaphore_mem>>)
      %add3A_492 = arith.constant 1 : i32
      %add3A_493 = arith.addi %arg0, %add3A_492 : i32
      %dma_start3A_494 = arith.constant 10 : i32
      %dma_start3A_495 = tpu.memref_slice %arg12[%rem3A_3, %dma_start3A_494] : memref<2x32x!tpu.dma_semaphore, #tpu.memory_space<semaphore_mem>> -> memref<1x1x!tpu.dma_semaphore, #tpu.memory_space<semaphore_mem>>
      %dma_start3A_496 = tpu.memref_squeeze %dma_start3A_495 : memref<1x1x!tpu.dma_semaphore, #tpu.memory_space<semaphore_mem>> -> memref<!tpu.dma_semaphore, #tpu.memory_space<semaphore_mem>>
      %dma_start3A_497 = arith.constant 320 : i32
      %dma_start3A_498 = arith.constant 0 : i32
      %dma_start3A_499 = tpu.memref_slice %arg10[%rem3A_3, %dma_start3A_497, %dma_start3A_498] : memref<2x1024x2048xf32, #tpu.memory_space<vmem>> -> memref<1x32x2048xf32, #tpu.memory_space<vmem>>
      %dma_start3A_500 = tpu.memref_squeeze %dma_start3A_499 : memref<1x32x2048xf32, #tpu.memory_space<vmem>> -> memref<32x2048xf32, #tpu.memory_space<vmem>>
      %dma_start3A_501 = arith.constant 320 : i32
      %dma_start3A_502 = arith.constant 0 : i32
      %dma_start3A_503 = tpu.memref_slice %arg3[%add3A_493, %dma_start3A_501, %dma_start3A_502] : memref<8x1024x2048xf32, #tpu.memory_space<any>> -> memref<1x32x2048xf32, #tpu.memory_space<any>>
      %dma_start3A_504 = tpu.memref_squeeze %dma_start3A_503 : memref<1x32x2048xf32, #tpu.memory_space<any>> -> memref<32x2048xf32, #tpu.memory_space<any>>
      tpu.enqueue_dma source(%dma_start3A_504 : memref<32x2048xf32, #tpu.memory_space<any>>) target(%dma_start3A_500 : memref<32x2048xf32, #tpu.memory_space<vmem>>) target_semaphore(%dma_start3A_496 : memref<!tpu.dma_semaphore, #tpu.memory_space<semaphore_mem>>)
      %add3A_505 = arith.constant 1 : i32
      %add3A_506 = arith.addi %arg0, %add3A_505 : i32
      %dma_start3A_507 = arith.constant 11 : i32
      %dma_start3A_508 = tpu.memref_slice %arg12[%rem3A_3, %dma_start3A_507] : memref<2x32x!tpu.dma_semaphore, #tpu.memory_space<semaphore_mem>> -> memref<1x1x!tpu.dma_semaphore, #tpu.memory_space<semaphore_mem>>
      %dma_start3A_509 = tpu.memref_squeeze %dma_start3A_508 : memref<1x1x!tpu.dma_semaphore, #tpu.memory_space<semaphore_mem>> -> memref<!tpu.dma_semaphore, #tpu.memory_space<semaphore_mem>>
      %dma_start3A_510 = arith.constant 352 : i32
      %dma_start3A_511 = arith.constant 0 : i32
      %dma_start3A_512 = tpu.memref_slice %arg10[%rem3A_3, %dma_start3A_510, %dma_start3A_511] : memref<2x1024x2048xf32, #tpu.memory_space<vmem>> -> memref<1x32x2048xf32, #tpu.memory_space<vmem>>
      %dma_start3A_513 = tpu.memref_squeeze %dma_start3A_512 : memref<1x32x2048xf32, #tpu.memory_space<vmem>> -> memref<32x2048xf32, #tpu.memory_space<vmem>>
      %dma_start3A_514 = arith.constant 352 : i32
      %dma_start3A_515 = arith.constant 0 : i32
      %dma_start3A_516 = tpu.memref_slice %arg3[%add3A_506, %dma_start3A_514, %dma_start3A_515] : memref<8x1024x2048xf32, #tpu.memory_space<any>> -> memref<1x32x2048xf32, #tpu.memory_space<any>>
      %dma_start3A_517 = tpu.memref_squeeze %dma_start3A_516 : memref<1x32x2048xf32, #tpu.memory_space<any>> -> memref<32x2048xf32, #tpu.memory_space<any>>
      tpu.enqueue_dma source(%dma_start3A_517 : memref<32x2048xf32, #tpu.memory_space<any>>) target(%dma_start3A_513 : memref<32x2048xf32, #tpu.memory_space<vmem>>) target_semaphore(%dma_start3A_509 : memref<!tpu.dma_semaphore, #tpu.memory_space<semaphore_mem>>)
      %add3A_518 = arith.constant 1 : i32
      %add3A_519 = arith.addi %arg0, %add3A_518 : i32
      %dma_start3A_520 = arith.constant 12 : i32
      %dma_start3A_521 = tpu.memref_slice %arg12[%rem3A_3, %dma_start3A_520] : memref<2x32x!tpu.dma_semaphore, #tpu.memory_space<semaphore_mem>> -> memref<1x1x!tpu.dma_semaphore, #tpu.memory_space<semaphore_mem>>
      %dma_start3A_522 = tpu.memref_squeeze %dma_start3A_521 : memref<1x1x!tpu.dma_semaphore, #tpu.memory_space<semaphore_mem>> -> memref<!tpu.dma_semaphore, #tpu.memory_space<semaphore_mem>>
      %dma_start3A_523 = arith.constant 384 : i32
      %dma_start3A_524 = arith.constant 0 : i32
      %dma_start3A_525 = tpu.memref_slice %arg10[%rem3A_3, %dma_start3A_523, %dma_start3A_524] : memref<2x1024x2048xf32, #tpu.memory_space<vmem>> -> memref<1x32x2048xf32, #tpu.memory_space<vmem>>
      %dma_start3A_526 = tpu.memref_squeeze %dma_start3A_525 : memref<1x32x2048xf32, #tpu.memory_space<vmem>> -> memref<32x2048xf32, #tpu.memory_space<vmem>>
      %dma_start3A_527 = arith.constant 384 : i32
      %dma_start3A_528 = arith.constant 0 : i32
      %dma_start3A_529 = tpu.memref_slice %arg3[%add3A_519, %dma_start3A_527, %dma_start3A_528] : memref<8x1024x2048xf32, #tpu.memory_space<any>> -> memref<1x32x2048xf32, #tpu.memory_space<any>>
      %dma_start3A_530 = tpu.memref_squeeze %dma_start3A_529 : memref<1x32x2048xf32, #tpu.memory_space<any>> -> memref<32x2048xf32, #tpu.memory_space<any>>
      tpu.enqueue_dma source(%dma_start3A_530 : memref<32x2048xf32, #tpu.memory_space<any>>) target(%dma_start3A_526 : memref<32x2048xf32, #tpu.memory_space<vmem>>) target_semaphore(%dma_start3A_522 : memref<!tpu.dma_semaphore, #tpu.memory_space<semaphore_mem>>)
      %add3A_531 = arith.constant 1 : i32
      %add3A_532 = arith.addi %arg0, %add3A_531 : i32
      %dma_start3A_533 = arith.constant 13 : i32
      %dma_start3A_534 = tpu.memref_slice %arg12[%rem3A_3, %dma_start3A_533] : memref<2x32x!tpu.dma_semaphore, #tpu.memory_space<semaphore_mem>> -> memref<1x1x!tpu.dma_semaphore, #tpu.memory_space<semaphore_mem>>
      %dma_start3A_535 = tpu.memref_squeeze %dma_start3A_534 : memref<1x1x!tpu.dma_semaphore, #tpu.memory_space<semaphore_mem>> -> memref<!tpu.dma_semaphore, #tpu.memory_space<semaphore_mem>>
      %dma_start3A_536 = arith.constant 416 : i32
      %dma_start3A_537 = arith.constant 0 : i32
      %dma_start3A_538 = tpu.memref_slice %arg10[%rem3A_3, %dma_start3A_536, %dma_start3A_537] : memref<2x1024x2048xf32, #tpu.memory_space<vmem>> -> memref<1x32x2048xf32, #tpu.memory_space<vmem>>
      %dma_start3A_539 = tpu.memref_squeeze %dma_start3A_538 : memref<1x32x2048xf32, #tpu.memory_space<vmem>> -> memref<32x2048xf32, #tpu.memory_space<vmem>>
      %dma_start3A_540 = arith.constant 416 : i32
      %dma_start3A_541 = arith.constant 0 : i32
      %dma_start3A_542 = tpu.memref_slice %arg3[%add3A_532, %dma_start3A_540, %dma_start3A_541] : memref<8x1024x2048xf32, #tpu.memory_space<any>> -> memref<1x32x2048xf32, #tpu.memory_space<any>>
      %dma_start3A_543 = tpu.memref_squeeze %dma_start3A_542 : memref<1x32x2048xf32, #tpu.memory_space<any>> -> memref<32x2048xf32, #tpu.memory_space<any>>
      tpu.enqueue_dma source(%dma_start3A_543 : memref<32x2048xf32, #tpu.memory_space<any>>) target(%dma_start3A_539 : memref<32x2048xf32, #tpu.memory_space<vmem>>) target_semaphore(%dma_start3A_535 : memref<!tpu.dma_semaphore, #tpu.memory_space<semaphore_mem>>)
      %add3A_544 = arith.constant 1 : i32
      %add3A_545 = arith.addi %arg0, %add3A_544 : i32
      %dma_start3A_546 = arith.constant 14 : i32
      %dma_start3A_547 = tpu.memref_slice %arg12[%rem3A_3, %dma_start3A_546] : memref<2x32x!tpu.dma_semaphore, #tpu.memory_space<semaphore_mem>> -> memref<1x1x!tpu.dma_semaphore, #tpu.memory_space<semaphore_mem>>
      %dma_start3A_548 = tpu.memref_squeeze %dma_start3A_547 : memref<1x1x!tpu.dma_semaphore, #tpu.memory_space<semaphore_mem>> -> memref<!tpu.dma_semaphore, #tpu.memory_space<semaphore_mem>>
      %dma_start3A_549 = arith.constant 448 : i32
      %dma_start3A_550 = arith.constant 0 : i32
      %dma_start3A_551 = tpu.memref_slice %arg10[%rem3A_3, %dma_start3A_549, %dma_start3A_550] : memref<2x1024x2048xf32, #tpu.memory_space<vmem>> -> memref<1x32x2048xf32, #tpu.memory_space<vmem>>
      %dma_start3A_552 = tpu.memref_squeeze %dma_start3A_551 : memref<1x32x2048xf32, #tpu.memory_space<vmem>> -> memref<32x2048xf32, #tpu.memory_space<vmem>>
      %dma_start3A_553 = arith.constant 448 : i32
      %dma_start3A_554 = arith.constant 0 : i32
      %dma_start3A_555 = tpu.memref_slice %arg3[%add3A_545, %dma_start3A_553, %dma_start3A_554] : memref<8x1024x2048xf32, #tpu.memory_space<any>> -> memref<1x32x2048xf32, #tpu.memory_space<any>>
      %dma_start3A_556 = tpu.memref_squeeze %dma_start3A_555 : memref<1x32x2048xf32, #tpu.memory_space<any>> -> memref<32x2048xf32, #tpu.memory_space<any>>
      tpu.enqueue_dma source(%dma_start3A_556 : memref<32x2048xf32, #tpu.memory_space<any>>) target(%dma_start3A_552 : memref<32x2048xf32, #tpu.memory_space<vmem>>) target_semaphore(%dma_start3A_548 : memref<!tpu.dma_semaphore, #tpu.memory_space<semaphore_mem>>)
      %add3A_557 = arith.constant 1 : i32
      %add3A_558 = arith.addi %arg0, %add3A_557 : i32
      %dma_start3A_559 = arith.constant 15 : i32
      %dma_start3A_560 = tpu.memref_slice %arg12[%rem3A_3, %dma_start3A_559] : memref<2x32x!tpu.dma_semaphore, #tpu.memory_space<semaphore_mem>> -> memref<1x1x!tpu.dma_semaphore, #tpu.memory_space<semaphore_mem>>
      %dma_start3A_561 = tpu.memref_squeeze %dma_start3A_560 : memref<1x1x!tpu.dma_semaphore, #tpu.memory_space<semaphore_mem>> -> memref<!tpu.dma_semaphore, #tpu.memory_space<semaphore_mem>>
      %dma_start3A_562 = arith.constant 480 : i32
      %dma_start3A_563 = arith.constant 0 : i32
      %dma_start3A_564 = tpu.memref_slice %arg10[%rem3A_3, %dma_start3A_562, %dma_start3A_563] : memref<2x1024x2048xf32, #tpu.memory_space<vmem>> -> memref<1x32x2048xf32, #tpu.memory_space<vmem>>
      %dma_start3A_565 = tpu.memref_squeeze %dma_start3A_564 : memref<1x32x2048xf32, #tpu.memory_space<vmem>> -> memref<32x2048xf32, #tpu.memory_space<vmem>>
      %dma_start3A_566 = arith.constant 480 : i32
      %dma_start3A_567 = arith.constant 0 : i32
      %dma_start3A_568 = tpu.memref_slice %arg3[%add3A_558, %dma_start3A_566, %dma_start3A_567] : memref<8x1024x2048xf32, #tpu.memory_space<any>> -> memref<1x32x2048xf32, #tpu.memory_space<any>>
      %dma_start3A_569 = tpu.memref_squeeze %dma_start3A_568 : memref<1x32x2048xf32, #tpu.memory_space<any>> -> memref<32x2048xf32, #tpu.memory_space<any>>
      tpu.enqueue_dma source(%dma_start3A_569 : memref<32x2048xf32, #tpu.memory_space<any>>) target(%dma_start3A_565 : memref<32x2048xf32, #tpu.memory_space<vmem>>) target_semaphore(%dma_start3A_561 : memref<!tpu.dma_semaphore, #tpu.memory_space<semaphore_mem>>)
      %add3A_570 = arith.constant 1 : i32
      %add3A_571 = arith.addi %arg0, %add3A_570 : i32
      %dma_start3A_572 = arith.constant 16 : i32
      %dma_start3A_573 = tpu.memref_slice %arg12[%rem3A_3, %dma_start3A_572] : memref<2x32x!tpu.dma_semaphore, #tpu.memory_space<semaphore_mem>> -> memref<1x1x!tpu.dma_semaphore, #tpu.memory_space<semaphore_mem>>
      %dma_start3A_574 = tpu.memref_squeeze %dma_start3A_573 : memref<1x1x!tpu.dma_semaphore, #tpu.memory_space<semaphore_mem>> -> memref<!tpu.dma_semaphore, #tpu.memory_space<semaphore_mem>>
      %dma_start3A_575 = arith.constant 512 : i32
      %dma_start3A_576 = arith.constant 0 : i32
      %dma_start3A_577 = tpu.memref_slice %arg10[%rem3A_3, %dma_start3A_575, %dma_start3A_576] : memref<2x1024x2048xf32, #tpu.memory_space<vmem>> -> memref<1x32x2048xf32, #tpu.memory_space<vmem>>
      %dma_start3A_578 = tpu.memref_squeeze %dma_start3A_577 : memref<1x32x2048xf32, #tpu.memory_space<vmem>> -> memref<32x2048xf32, #tpu.memory_space<vmem>>
      %dma_start3A_579 = arith.constant 512 : i32
      %dma_start3A_580 = arith.constant 0 : i32
      %dma_start3A_581 = tpu.memref_slice %arg3[%add3A_571, %dma_start3A_579, %dma_start3A_580] : memref<8x1024x2048xf32, #tpu.memory_space<any>> -> memref<1x32x2048xf32, #tpu.memory_space<any>>
      %dma_start3A_582 = tpu.memref_squeeze %dma_start3A_581 : memref<1x32x2048xf32, #tpu.memory_space<any>> -> memref<32x2048xf32, #tpu.memory_space<any>>
      tpu.enqueue_dma source(%dma_start3A_582 : memref<32x2048xf32, #tpu.memory_space<any>>) target(%dma_start3A_578 : memref<32x2048xf32, #tpu.memory_space<vmem>>) target_semaphore(%dma_start3A_574 : memref<!tpu.dma_semaphore, #tpu.memory_space<semaphore_mem>>)
      %add3A_583 = arith.constant 1 : i32
      %add3A_584 = arith.addi %arg0, %add3A_583 : i32
      %dma_start3A_585 = arith.constant 17 : i32
      %dma_start3A_586 = tpu.memref_slice %arg12[%rem3A_3, %dma_start3A_585] : memref<2x32x!tpu.dma_semaphore, #tpu.memory_space<semaphore_mem>> -> memref<1x1x!tpu.dma_semaphore, #tpu.memory_space<semaphore_mem>>
      %dma_start3A_587 = tpu.memref_squeeze %dma_start3A_586 : memref<1x1x!tpu.dma_semaphore, #tpu.memory_space<semaphore_mem>> -> memref<!tpu.dma_semaphore, #tpu.memory_space<semaphore_mem>>
      %dma_start3A_588 = arith.constant 544 : i32
      %dma_start3A_589 = arith.constant 0 : i32
      %dma_start3A_590 = tpu.memref_slice %arg10[%rem3A_3, %dma_start3A_588, %dma_start3A_589] : memref<2x1024x2048xf32, #tpu.memory_space<vmem>> -> memref<1x32x2048xf32, #tpu.memory_space<vmem>>
      %dma_start3A_591 = tpu.memref_squeeze %dma_start3A_590 : memref<1x32x2048xf32, #tpu.memory_space<vmem>> -> memref<32x2048xf32, #tpu.memory_space<vmem>>
      %dma_start3A_592 = arith.constant 544 : i32
      %dma_start3A_593 = arith.constant 0 : i32
      %dma_start3A_594 = tpu.memref_slice %arg3[%add3A_584, %dma_start3A_592, %dma_start3A_593] : memref<8x1024x2048xf32, #tpu.memory_space<any>> -> memref<1x32x2048xf32, #tpu.memory_space<any>>
      %dma_start3A_595 = tpu.memref_squeeze %dma_start3A_594 : memref<1x32x2048xf32, #tpu.memory_space<any>> -> memref<32x2048xf32, #tpu.memory_space<any>>
      tpu.enqueue_dma source(%dma_start3A_595 : memref<32x2048xf32, #tpu.memory_space<any>>) target(%dma_start3A_591 : memref<32x2048xf32, #tpu.memory_space<vmem>>) target_semaphore(%dma_start3A_587 : memref<!tpu.dma_semaphore, #tpu.memory_space<semaphore_mem>>)
      %add3A_596 = arith.constant 1 : i32
      %add3A_597 = arith.addi %arg0, %add3A_596 : i32
      %dma_start3A_598 = arith.constant 18 : i32
      %dma_start3A_599 = tpu.memref_slice %arg12[%rem3A_3, %dma_start3A_598] : memref<2x32x!tpu.dma_semaphore, #tpu.memory_space<semaphore_mem>> -> memref<1x1x!tpu.dma_semaphore, #tpu.memory_space<semaphore_mem>>
      %dma_start3A_600 = tpu.memref_squeeze %dma_start3A_599 : memref<1x1x!tpu.dma_semaphore, #tpu.memory_space<semaphore_mem>> -> memref<!tpu.dma_semaphore, #tpu.memory_space<semaphore_mem>>
      %dma_start3A_601 = arith.constant 576 : i32
      %dma_start3A_602 = arith.constant 0 : i32
      %dma_start3A_603 = tpu.memref_slice %arg10[%rem3A_3, %dma_start3A_601, %dma_start3A_602] : memref<2x1024x2048xf32, #tpu.memory_space<vmem>> -> memref<1x32x2048xf32, #tpu.memory_space<vmem>>
      %dma_start3A_604 = tpu.memref_squeeze %dma_start3A_603 : memref<1x32x2048xf32, #tpu.memory_space<vmem>> -> memref<32x2048xf32, #tpu.memory_space<vmem>>
      %dma_start3A_605 = arith.constant 576 : i32
      %dma_start3A_606 = arith.constant 0 : i32
      %dma_start3A_607 = tpu.memref_slice %arg3[%add3A_597, %dma_start3A_605, %dma_start3A_606] : memref<8x1024x2048xf32, #tpu.memory_space<any>> -> memref<1x32x2048xf32, #tpu.memory_space<any>>
      %dma_start3A_608 = tpu.memref_squeeze %dma_start3A_607 : memref<1x32x2048xf32, #tpu.memory_space<any>> -> memref<32x2048xf32, #tpu.memory_space<any>>
      tpu.enqueue_dma source(%dma_start3A_608 : memref<32x2048xf32, #tpu.memory_space<any>>) target(%dma_start3A_604 : memref<32x2048xf32, #tpu.memory_space<vmem>>) target_semaphore(%dma_start3A_600 : memref<!tpu.dma_semaphore, #tpu.memory_space<semaphore_mem>>)
      %add3A_609 = arith.constant 1 : i32
      %add3A_610 = arith.addi %arg0, %add3A_609 : i32
      %dma_start3A_611 = arith.constant 19 : i32
      %dma_start3A_612 = tpu.memref_slice %arg12[%rem3A_3, %dma_start3A_611] : memref<2x32x!tpu.dma_semaphore, #tpu.memory_space<semaphore_mem>> -> memref<1x1x!tpu.dma_semaphore, #tpu.memory_space<semaphore_mem>>
      %dma_start3A_613 = tpu.memref_squeeze %dma_start3A_612 : memref<1x1x!tpu.dma_semaphore, #tpu.memory_space<semaphore_mem>> -> memref<!tpu.dma_semaphore, #tpu.memory_space<semaphore_mem>>
      %dma_start3A_614 = arith.constant 608 : i32
      %dma_start3A_615 = arith.constant 0 : i32
      %dma_start3A_616 = tpu.memref_slice %arg10[%rem3A_3, %dma_start3A_614, %dma_start3A_615] : memref<2x1024x2048xf32, #tpu.memory_space<vmem>> -> memref<1x32x2048xf32, #tpu.memory_space<vmem>>
      %dma_start3A_617 = tpu.memref_squeeze %dma_start3A_616 : memref<1x32x2048xf32, #tpu.memory_space<vmem>> -> memref<32x2048xf32, #tpu.memory_space<vmem>>
      %dma_start3A_618 = arith.constant 608 : i32
      %dma_start3A_619 = arith.constant 0 : i32
      %dma_start3A_620 = tpu.memref_slice %arg3[%add3A_610, %dma_start3A_618, %dma_start3A_619] : memref<8x1024x2048xf32, #tpu.memory_space<any>> -> memref<1x32x2048xf32, #tpu.memory_space<any>>
      %dma_start3A_621 = tpu.memref_squeeze %dma_start3A_620 : memref<1x32x2048xf32, #tpu.memory_space<any>> -> memref<32x2048xf32, #tpu.memory_space<any>>
      tpu.enqueue_dma source(%dma_start3A_621 : memref<32x2048xf32, #tpu.memory_space<any>>) target(%dma_start3A_617 : memref<32x2048xf32, #tpu.memory_space<vmem>>) target_semaphore(%dma_start3A_613 : memref<!tpu.dma_semaphore, #tpu.memory_space<semaphore_mem>>)
      %add3A_622 = arith.constant 1 : i32
      %add3A_623 = arith.addi %arg0, %add3A_622 : i32
      %dma_start3A_624 = arith.constant 20 : i32
      %dma_start3A_625 = tpu.memref_slice %arg12[%rem3A_3, %dma_start3A_624] : memref<2x32x!tpu.dma_semaphore, #tpu.memory_space<semaphore_mem>> -> memref<1x1x!tpu.dma_semaphore, #tpu.memory_space<semaphore_mem>>
      %dma_start3A_626 = tpu.memref_squeeze %dma_start3A_625 : memref<1x1x!tpu.dma_semaphore, #tpu.memory_space<semaphore_mem>> -> memref<!tpu.dma_semaphore, #tpu.memory_space<semaphore_mem>>
      %dma_start3A_627 = arith.constant 640 : i32
      %dma_start3A_628 = arith.constant 0 : i32
      %dma_start3A_629 = tpu.memref_slice %arg10[%rem3A_3, %dma_start3A_627, %dma_start3A_628] : memref<2x1024x2048xf32, #tpu.memory_space<vmem>> -> memref<1x32x2048xf32, #tpu.memory_space<vmem>>
      %dma_start3A_630 = tpu.memref_squeeze %dma_start3A_629 : memref<1x32x2048xf32, #tpu.memory_space<vmem>> -> memref<32x2048xf32, #tpu.memory_space<vmem>>
      %dma_start3A_631 = arith.constant 640 : i32
      %dma_start3A_632 = arith.constant 0 : i32
      %dma_start3A_633 = tpu.memref_slice %arg3[%add3A_623, %dma_start3A_631, %dma_start3A_632] : memref<8x1024x2048xf32, #tpu.memory_space<any>> -> memref<1x32x2048xf32, #tpu.memory_space<any>>
      %dma_start3A_634 = tpu.memref_squeeze %dma_start3A_633 : memref<1x32x2048xf32, #tpu.memory_space<any>> -> memref<32x2048xf32, #tpu.memory_space<any>>
      tpu.enqueue_dma source(%dma_start3A_634 : memref<32x2048xf32, #tpu.memory_space<any>>) target(%dma_start3A_630 : memref<32x2048xf32, #tpu.memory_space<vmem>>) target_semaphore(%dma_start3A_626 : memref<!tpu.dma_semaphore, #tpu.memory_space<semaphore_mem>>)
      %add3A_635 = arith.constant 1 : i32
      %add3A_636 = arith.addi %arg0, %add3A_635 : i32
      %dma_start3A_637 = arith.constant 21 : i32
      %dma_start3A_638 = tpu.memref_slice %arg12[%rem3A_3, %dma_start3A_637] : memref<2x32x!tpu.dma_semaphore, #tpu.memory_space<semaphore_mem>> -> memref<1x1x!tpu.dma_semaphore, #tpu.memory_space<semaphore_mem>>
      %dma_start3A_639 = tpu.memref_squeeze %dma_start3A_638 : memref<1x1x!tpu.dma_semaphore, #tpu.memory_space<semaphore_mem>> -> memref<!tpu.dma_semaphore, #tpu.memory_space<semaphore_mem>>
      %dma_start3A_640 = arith.constant 672 : i32
      %dma_start3A_641 = arith.constant 0 : i32
      %dma_start3A_642 = tpu.memref_slice %arg10[%rem3A_3, %dma_start3A_640, %dma_start3A_641] : memref<2x1024x2048xf32, #tpu.memory_space<vmem>> -> memref<1x32x2048xf32, #tpu.memory_space<vmem>>
      %dma_start3A_643 = tpu.memref_squeeze %dma_start3A_642 : memref<1x32x2048xf32, #tpu.memory_space<vmem>> -> memref<32x2048xf32, #tpu.memory_space<vmem>>
      %dma_start3A_644 = arith.constant 672 : i32
      %dma_start3A_645 = arith.constant 0 : i32
      %dma_start3A_646 = tpu.memref_slice %arg3[%add3A_636, %dma_start3A_644, %dma_start3A_645] : memref<8x1024x2048xf32, #tpu.memory_space<any>> -> memref<1x32x2048xf32, #tpu.memory_space<any>>
      %dma_start3A_647 = tpu.memref_squeeze %dma_start3A_646 : memref<1x32x2048xf32, #tpu.memory_space<any>> -> memref<32x2048xf32, #tpu.memory_space<any>>
      tpu.enqueue_dma source(%dma_start3A_647 : memref<32x2048xf32, #tpu.memory_space<any>>) target(%dma_start3A_643 : memref<32x2048xf32, #tpu.memory_space<vmem>>) target_semaphore(%dma_start3A_639 : memref<!tpu.dma_semaphore, #tpu.memory_space<semaphore_mem>>)
      %add3A_648 = arith.constant 1 : i32
      %add3A_649 = arith.addi %arg0, %add3A_648 : i32
      %dma_start3A_650 = arith.constant 22 : i32
      %dma_start3A_651 = tpu.memref_slice %arg12[%rem3A_3, %dma_start3A_650] : memref<2x32x!tpu.dma_semaphore, #tpu.memory_space<semaphore_mem>> -> memref<1x1x!tpu.dma_semaphore, #tpu.memory_space<semaphore_mem>>
      %dma_start3A_652 = tpu.memref_squeeze %dma_start3A_651 : memref<1x1x!tpu.dma_semaphore, #tpu.memory_space<semaphore_mem>> -> memref<!tpu.dma_semaphore, #tpu.memory_space<semaphore_mem>>
      %dma_start3A_653 = arith.constant 704 : i32
      %dma_start3A_654 = arith.constant 0 : i32
      %dma_start3A_655 = tpu.memref_slice %arg10[%rem3A_3, %dma_start3A_653, %dma_start3A_654] : memref<2x1024x2048xf32, #tpu.memory_space<vmem>> -> memref<1x32x2048xf32, #tpu.memory_space<vmem>>
      %dma_start3A_656 = tpu.memref_squeeze %dma_start3A_655 : memref<1x32x2048xf32, #tpu.memory_space<vmem>> -> memref<32x2048xf32, #tpu.memory_space<vmem>>
      %dma_start3A_657 = arith.constant 704 : i32
      %dma_start3A_658 = arith.constant 0 : i32
      %dma_start3A_659 = tpu.memref_slice %arg3[%add3A_649, %dma_start3A_657, %dma_start3A_658] : memref<8x1024x2048xf32, #tpu.memory_space<any>> -> memref<1x32x2048xf32, #tpu.memory_space<any>>
      %dma_start3A_660 = tpu.memref_squeeze %dma_start3A_659 : memref<1x32x2048xf32, #tpu.memory_space<any>> -> memref<32x2048xf32, #tpu.memory_space<any>>
      tpu.enqueue_dma source(%dma_start3A_660 : memref<32x2048xf32, #tpu.memory_space<any>>) target(%dma_start3A_656 : memref<32x2048xf32, #tpu.memory_space<vmem>>) target_semaphore(%dma_start3A_652 : memref<!tpu.dma_semaphore, #tpu.memory_space<semaphore_mem>>)
      %add3A_661 = arith.constant 1 : i32
      %add3A_662 = arith.addi %arg0, %add3A_661 : i32
      %dma_start3A_663 = arith.constant 23 : i32
      %dma_start3A_664 = tpu.memref_slice %arg12[%rem3A_3, %dma_start3A_663] : memref<2x32x!tpu.dma_semaphore, #tpu.memory_space<semaphore_mem>> -> memref<1x1x!tpu.dma_semaphore, #tpu.memory_space<semaphore_mem>>
      %dma_start3A_665 = tpu.memref_squeeze %dma_start3A_664 : memref<1x1x!tpu.dma_semaphore, #tpu.memory_space<semaphore_mem>> -> memref<!tpu.dma_semaphore, #tpu.memory_space<semaphore_mem>>
      %dma_start3A_666 = arith.constant 736 : i32
      %dma_start3A_667 = arith.constant 0 : i32
      %dma_start3A_668 = tpu.memref_slice %arg10[%rem3A_3, %dma_start3A_666, %dma_start3A_667] : memref<2x1024x2048xf32, #tpu.memory_space<vmem>> -> memref<1x32x2048xf32, #tpu.memory_space<vmem>>
      %dma_start3A_669 = tpu.memref_squeeze %dma_start3A_668 : memref<1x32x2048xf32, #tpu.memory_space<vmem>> -> memref<32x2048xf32, #tpu.memory_space<vmem>>
      %dma_start3A_670 = arith.constant 736 : i32
      %dma_start3A_671 = arith.constant 0 : i32
      %dma_start3A_672 = tpu.memref_slice %arg3[%add3A_662, %dma_start3A_670, %dma_start3A_671] : memref<8x1024x2048xf32, #tpu.memory_space<any>> -> memref<1x32x2048xf32, #tpu.memory_space<any>>
      %dma_start3A_673 = tpu.memref_squeeze %dma_start3A_672 : memref<1x32x2048xf32, #tpu.memory_space<any>> -> memref<32x2048xf32, #tpu.memory_space<any>>
      tpu.enqueue_dma source(%dma_start3A_673 : memref<32x2048xf32, #tpu.memory_space<any>>) target(%dma_start3A_669 : memref<32x2048xf32, #tpu.memory_space<vmem>>) target_semaphore(%dma_start3A_665 : memref<!tpu.dma_semaphore, #tpu.memory_space<semaphore_mem>>)
      %add3A_674 = arith.constant 1 : i32
      %add3A_675 = arith.addi %arg0, %add3A_674 : i32
      %dma_start3A_676 = arith.constant 24 : i32
      %dma_start3A_677 = tpu.memref_slice %arg12[%rem3A_3, %dma_start3A_676] : memref<2x32x!tpu.dma_semaphore, #tpu.memory_space<semaphore_mem>> -> memref<1x1x!tpu.dma_semaphore, #tpu.memory_space<semaphore_mem>>
      %dma_start3A_678 = tpu.memref_squeeze %dma_start3A_677 : memref<1x1x!tpu.dma_semaphore, #tpu.memory_space<semaphore_mem>> -> memref<!tpu.dma_semaphore, #tpu.memory_space<semaphore_mem>>
      %dma_start3A_679 = arith.constant 768 : i32
      %dma_start3A_680 = arith.constant 0 : i32
      %dma_start3A_681 = tpu.memref_slice %arg10[%rem3A_3, %dma_start3A_679, %dma_start3A_680] : memref<2x1024x2048xf32, #tpu.memory_space<vmem>> -> memref<1x32x2048xf32, #tpu.memory_space<vmem>>
      %dma_start3A_682 = tpu.memref_squeeze %dma_start3A_681 : memref<1x32x2048xf32, #tpu.memory_space<vmem>> -> memref<32x2048xf32, #tpu.memory_space<vmem>>
      %dma_start3A_683 = arith.constant 768 : i32
      %dma_start3A_684 = arith.constant 0 : i32
      %dma_start3A_685 = tpu.memref_slice %arg3[%add3A_675, %dma_start3A_683, %dma_start3A_684] : memref<8x1024x2048xf32, #tpu.memory_space<any>> -> memref<1x32x2048xf32, #tpu.memory_space<any>>
      %dma_start3A_686 = tpu.memref_squeeze %dma_start3A_685 : memref<1x32x2048xf32, #tpu.memory_space<any>> -> memref<32x2048xf32, #tpu.memory_space<any>>
      tpu.enqueue_dma source(%dma_start3A_686 : memref<32x2048xf32, #tpu.memory_space<any>>) target(%dma_start3A_682 : memref<32x2048xf32, #tpu.memory_space<vmem>>) target_semaphore(%dma_start3A_678 : memref<!tpu.dma_semaphore, #tpu.memory_space<semaphore_mem>>)
      %add3A_687 = arith.constant 1 : i32
      %add3A_688 = arith.addi %arg0, %add3A_687 : i32
      %dma_start3A_689 = arith.constant 25 : i32
      %dma_start3A_690 = tpu.memref_slice %arg12[%rem3A_3, %dma_start3A_689] : memref<2x32x!tpu.dma_semaphore, #tpu.memory_space<semaphore_mem>> -> memref<1x1x!tpu.dma_semaphore, #tpu.memory_space<semaphore_mem>>
      %dma_start3A_691 = tpu.memref_squeeze %dma_start3A_690 : memref<1x1x!tpu.dma_semaphore, #tpu.memory_space<semaphore_mem>> -> memref<!tpu.dma_semaphore, #tpu.memory_space<semaphore_mem>>
      %dma_start3A_692 = arith.constant 800 : i32
      %dma_start3A_693 = arith.constant 0 : i32
      %dma_start3A_694 = tpu.memref_slice %arg10[%rem3A_3, %dma_start3A_692, %dma_start3A_693] : memref<2x1024x2048xf32, #tpu.memory_space<vmem>> -> memref<1x32x2048xf32, #tpu.memory_space<vmem>>
      %dma_start3A_695 = tpu.memref_squeeze %dma_start3A_694 : memref<1x32x2048xf32, #tpu.memory_space<vmem>> -> memref<32x2048xf32, #tpu.memory_space<vmem>>
      %dma_start3A_696 = arith.constant 800 : i32
      %dma_start3A_697 = arith.constant 0 : i32
      %dma_start3A_698 = tpu.memref_slice %arg3[%add3A_688, %dma_start3A_696, %dma_start3A_697] : memref<8x1024x2048xf32, #tpu.memory_space<any>> -> memref<1x32x2048xf32, #tpu.memory_space<any>>
      %dma_start3A_699 = tpu.memref_squeeze %dma_start3A_698 : memref<1x32x2048xf32, #tpu.memory_space<any>> -> memref<32x2048xf32, #tpu.memory_space<any>>
      tpu.enqueue_dma source(%dma_start3A_699 : memref<32x2048xf32, #tpu.memory_space<any>>) target(%dma_start3A_695 : memref<32x2048xf32, #tpu.memory_space<vmem>>) target_semaphore(%dma_start3A_691 : memref<!tpu.dma_semaphore, #tpu.memory_space<semaphore_mem>>)
      %add3A_700 = arith.constant 1 : i32
      %add3A_701 = arith.addi %arg0, %add3A_700 : i32
      %dma_start3A_702 = arith.constant 26 : i32
      %dma_start3A_703 = tpu.memref_slice %arg12[%rem3A_3, %dma_start3A_702] : memref<2x32x!tpu.dma_semaphore, #tpu.memory_space<semaphore_mem>> -> memref<1x1x!tpu.dma_semaphore, #tpu.memory_space<semaphore_mem>>
      %dma_start3A_704 = tpu.memref_squeeze %dma_start3A_703 : memref<1x1x!tpu.dma_semaphore, #tpu.memory_space<semaphore_mem>> -> memref<!tpu.dma_semaphore, #tpu.memory_space<semaphore_mem>>
      %dma_start3A_705 = arith.constant 832 : i32
      %dma_start3A_706 = arith.constant 0 : i32
      %dma_start3A_707 = tpu.memref_slice %arg10[%rem3A_3, %dma_start3A_705, %dma_start3A_706] : memref<2x1024x2048xf32, #tpu.memory_space<vmem>> -> memref<1x32x2048xf32, #tpu.memory_space<vmem>>
      %dma_start3A_708 = tpu.memref_squeeze %dma_start3A_707 : memref<1x32x2048xf32, #tpu.memory_space<vmem>> -> memref<32x2048xf32, #tpu.memory_space<vmem>>
      %dma_start3A_709 = arith.constant 832 : i32
      %dma_start3A_710 = arith.constant 0 : i32
      %dma_start3A_711 = tpu.memref_slice %arg3[%add3A_701, %dma_start3A_709, %dma_start3A_710] : memref<8x1024x2048xf32, #tpu.memory_space<any>> -> memref<1x32x2048xf32, #tpu.memory_space<any>>
      %dma_start3A_712 = tpu.memref_squeeze %dma_start3A_711 : memref<1x32x2048xf32, #tpu.memory_space<any>> -> memref<32x2048xf32, #tpu.memory_space<any>>
      tpu.enqueue_dma source(%dma_start3A_712 : memref<32x2048xf32, #tpu.memory_space<any>>) target(%dma_start3A_708 : memref<32x2048xf32, #tpu.memory_space<vmem>>) target_semaphore(%dma_start3A_704 : memref<!tpu.dma_semaphore, #tpu.memory_space<semaphore_mem>>)
      %add3A_713 = arith.constant 1 : i32
      %add3A_714 = arith.addi %arg0, %add3A_713 : i32
      %dma_start3A_715 = arith.constant 27 : i32
      %dma_start3A_716 = tpu.memref_slice %arg12[%rem3A_3, %dma_start3A_715] : memref<2x32x!tpu.dma_semaphore, #tpu.memory_space<semaphore_mem>> -> memref<1x1x!tpu.dma_semaphore, #tpu.memory_space<semaphore_mem>>
      %dma_start3A_717 = tpu.memref_squeeze %dma_start3A_716 : memref<1x1x!tpu.dma_semaphore, #tpu.memory_space<semaphore_mem>> -> memref<!tpu.dma_semaphore, #tpu.memory_space<semaphore_mem>>
      %dma_start3A_718 = arith.constant 864 : i32
      %dma_start3A_719 = arith.constant 0 : i32
      %dma_start3A_720 = tpu.memref_slice %arg10[%rem3A_3, %dma_start3A_718, %dma_start3A_719] : memref<2x1024x2048xf32, #tpu.memory_space<vmem>> -> memref<1x32x2048xf32, #tpu.memory_space<vmem>>
      %dma_start3A_721 = tpu.memref_squeeze %dma_start3A_720 : memref<1x32x2048xf32, #tpu.memory_space<vmem>> -> memref<32x2048xf32, #tpu.memory_space<vmem>>
      %dma_start3A_722 = arith.constant 864 : i32
      %dma_start3A_723 = arith.constant 0 : i32
      %dma_start3A_724 = tpu.memref_slice %arg3[%add3A_714, %dma_start3A_722, %dma_start3A_723] : memref<8x1024x2048xf32, #tpu.memory_space<any>> -> memref<1x32x2048xf32, #tpu.memory_space<any>>
      %dma_start3A_725 = tpu.memref_squeeze %dma_start3A_724 : memref<1x32x2048xf32, #tpu.memory_space<any>> -> memref<32x2048xf32, #tpu.memory_space<any>>
      tpu.enqueue_dma source(%dma_start3A_725 : memref<32x2048xf32, #tpu.memory_space<any>>) target(%dma_start3A_721 : memref<32x2048xf32, #tpu.memory_space<vmem>>) target_semaphore(%dma_start3A_717 : memref<!tpu.dma_semaphore, #tpu.memory_space<semaphore_mem>>)
      %add3A_726 = arith.constant 1 : i32
      %add3A_727 = arith.addi %arg0, %add3A_726 : i32
      %dma_start3A_728 = arith.constant 28 : i32
      %dma_start3A_729 = tpu.memref_slice %arg12[%rem3A_3, %dma_start3A_728] : memref<2x32x!tpu.dma_semaphore, #tpu.memory_space<semaphore_mem>> -> memref<1x1x!tpu.dma_semaphore, #tpu.memory_space<semaphore_mem>>
      %dma_start3A_730 = tpu.memref_squeeze %dma_start3A_729 : memref<1x1x!tpu.dma_semaphore, #tpu.memory_space<semaphore_mem>> -> memref<!tpu.dma_semaphore, #tpu.memory_space<semaphore_mem>>
      %dma_start3A_731 = arith.constant 896 : i32
      %dma_start3A_732 = arith.constant 0 : i32
      %dma_start3A_733 = tpu.memref_slice %arg10[%rem3A_3, %dma_start3A_731, %dma_start3A_732] : memref<2x1024x2048xf32, #tpu.memory_space<vmem>> -> memref<1x32x2048xf32, #tpu.memory_space<vmem>>
      %dma_start3A_734 = tpu.memref_squeeze %dma_start3A_733 : memref<1x32x2048xf32, #tpu.memory_space<vmem>> -> memref<32x2048xf32, #tpu.memory_space<vmem>>
      %dma_start3A_735 = arith.constant 896 : i32
      %dma_start3A_736 = arith.constant 0 : i32
      %dma_start3A_737 = tpu.memref_slice %arg3[%add3A_727, %dma_start3A_735, %dma_start3A_736] : memref<8x1024x2048xf32, #tpu.memory_space<any>> -> memref<1x32x2048xf32, #tpu.memory_space<any>>
      %dma_start3A_738 = tpu.memref_squeeze %dma_start3A_737 : memref<1x32x2048xf32, #tpu.memory_space<any>> -> memref<32x2048xf32, #tpu.memory_space<any>>
      tpu.enqueue_dma source(%dma_start3A_738 : memref<32x2048xf32, #tpu.memory_space<any>>) target(%dma_start3A_734 : memref<32x2048xf32, #tpu.memory_space<vmem>>) target_semaphore(%dma_start3A_730 : memref<!tpu.dma_semaphore, #tpu.memory_space<semaphore_mem>>)
      %add3A_739 = arith.constant 1 : i32
      %add3A_740 = arith.addi %arg0, %add3A_739 : i32
      %dma_start3A_741 = arith.constant 29 : i32
      %dma_start3A_742 = tpu.memref_slice %arg12[%rem3A_3, %dma_start3A_741] : memref<2x32x!tpu.dma_semaphore, #tpu.memory_space<semaphore_mem>> -> memref<1x1x!tpu.dma_semaphore, #tpu.memory_space<semaphore_mem>>
      %dma_start3A_743 = tpu.memref_squeeze %dma_start3A_742 : memref<1x1x!tpu.dma_semaphore, #tpu.memory_space<semaphore_mem>> -> memref<!tpu.dma_semaphore, #tpu.memory_space<semaphore_mem>>
      %dma_start3A_744 = arith.constant 928 : i32
      %dma_start3A_745 = arith.constant 0 : i32
      %dma_start3A_746 = tpu.memref_slice %arg10[%rem3A_3, %dma_start3A_744, %dma_start3A_745] : memref<2x1024x2048xf32, #tpu.memory_space<vmem>> -> memref<1x32x2048xf32, #tpu.memory_space<vmem>>
      %dma_start3A_747 = tpu.memref_squeeze %dma_start3A_746 : memref<1x32x2048xf32, #tpu.memory_space<vmem>> -> memref<32x2048xf32, #tpu.memory_space<vmem>>
      %dma_start3A_748 = arith.constant 928 : i32
      %dma_start3A_749 = arith.constant 0 : i32
      %dma_start3A_750 = tpu.memref_slice %arg3[%add3A_740, %dma_start3A_748, %dma_start3A_749] : memref<8x1024x2048xf32, #tpu.memory_space<any>> -> memref<1x32x2048xf32, #tpu.memory_space<any>>
      %dma_start3A_751 = tpu.memref_squeeze %dma_start3A_750 : memref<1x32x2048xf32, #tpu.memory_space<any>> -> memref<32x2048xf32, #tpu.memory_space<any>>
      tpu.enqueue_dma source(%dma_start3A_751 : memref<32x2048xf32, #tpu.memory_space<any>>) target(%dma_start3A_747 : memref<32x2048xf32, #tpu.memory_space<vmem>>) target_semaphore(%dma_start3A_743 : memref<!tpu.dma_semaphore, #tpu.memory_space<semaphore_mem>>)
      %add3A_752 = arith.constant 1 : i32
      %add3A_753 = arith.addi %arg0, %add3A_752 : i32
      %dma_start3A_754 = arith.constant 30 : i32
      %dma_start3A_755 = tpu.memref_slice %arg12[%rem3A_3, %dma_start3A_754] : memref<2x32x!tpu.dma_semaphore, #tpu.memory_space<semaphore_mem>> -> memref<1x1x!tpu.dma_semaphore, #tpu.memory_space<semaphore_mem>>
      %dma_start3A_756 = tpu.memref_squeeze %dma_start3A_755 : memref<1x1x!tpu.dma_semaphore, #tpu.memory_space<semaphore_mem>> -> memref<!tpu.dma_semaphore, #tpu.memory_space<semaphore_mem>>
      %dma_start3A_757 = arith.constant 960 : i32
      %dma_start3A_758 = arith.constant 0 : i32
      %dma_start3A_759 = tpu.memref_slice %arg10[%rem3A_3, %dma_start3A_757, %dma_start3A_758] : memref<2x1024x2048xf32, #tpu.memory_space<vmem>> -> memref<1x32x2048xf32, #tpu.memory_space<vmem>>
      %dma_start3A_760 = tpu.memref_squeeze %dma_start3A_759 : memref<1x32x2048xf32, #tpu.memory_space<vmem>> -> memref<32x2048xf32, #tpu.memory_space<vmem>>
      %dma_start3A_761 = arith.constant 960 : i32
      %dma_start3A_762 = arith.constant 0 : i32
      %dma_start3A_763 = tpu.memref_slice %arg3[%add3A_753, %dma_start3A_761, %dma_start3A_762] : memref<8x1024x2048xf32, #tpu.memory_space<any>> -> memref<1x32x2048xf32, #tpu.memory_space<any>>
      %dma_start3A_764 = tpu.memref_squeeze %dma_start3A_763 : memref<1x32x2048xf32, #tpu.memory_space<any>> -> memref<32x2048xf32, #tpu.memory_space<any>>
      tpu.enqueue_dma source(%dma_start3A_764 : memref<32x2048xf32, #tpu.memory_space<any>>) target(%dma_start3A_760 : memref<32x2048xf32, #tpu.memory_space<vmem>>) target_semaphore(%dma_start3A_756 : memref<!tpu.dma_semaphore, #tpu.memory_space<semaphore_mem>>)
      %add3A_765 = arith.constant 1 : i32
      %add3A_766 = arith.addi %arg0, %add3A_765 : i32
      %dma_start3A_767 = arith.constant 31 : i32
      %dma_start3A_768 = tpu.memref_slice %arg12[%rem3A_3, %dma_start3A_767] : memref<2x32x!tpu.dma_semaphore, #tpu.memory_space<semaphore_mem>> -> memref<1x1x!tpu.dma_semaphore, #tpu.memory_space<semaphore_mem>>
      %dma_start3A_769 = tpu.memref_squeeze %dma_start3A_768 : memref<1x1x!tpu.dma_semaphore, #tpu.memory_space<semaphore_mem>> -> memref<!tpu.dma_semaphore, #tpu.memory_space<semaphore_mem>>
      %dma_start3A_770 = arith.constant 992 : i32
      %dma_start3A_771 = arith.constant 0 : i32
      %dma_start3A_772 = tpu.memref_slice %arg10[%rem3A_3, %dma_start3A_770, %dma_start3A_771] : memref<2x1024x2048xf32, #tpu.memory_space<vmem>> -> memref<1x32x2048xf32, #tpu.memory_space<vmem>>
      %dma_start3A_773 = tpu.memref_squeeze %dma_start3A_772 : memref<1x32x2048xf32, #tpu.memory_space<vmem>> -> memref<32x2048xf32, #tpu.memory_space<vmem>>
      %dma_start3A_774 = arith.constant 992 : i32
      %dma_start3A_775 = arith.constant 0 : i32
      %dma_start3A_776 = tpu.memref_slice %arg3[%add3A_766, %dma_start3A_774, %dma_start3A_775] : memref<8x1024x2048xf32, #tpu.memory_space<any>> -> memref<1x32x2048xf32, #tpu.memory_space<any>>
      %dma_start3A_777 = tpu.memref_squeeze %dma_start3A_776 : memref<1x32x2048xf32, #tpu.memory_space<any>> -> memref<32x2048xf32, #tpu.memory_space<any>>
      tpu.enqueue_dma source(%dma_start3A_777 : memref<32x2048xf32, #tpu.memory_space<any>>) target(%dma_start3A_773 : memref<32x2048xf32, #tpu.memory_space<vmem>>) target_semaphore(%dma_start3A_769 : memref<!tpu.dma_semaphore, #tpu.memory_space<semaphore_mem>>)
    } else {
    }
    %dma_wait3A = arith.constant 0 : i32
    %dma_wait3A_12 = tpu.memref_slice %arg12[%rem3A_0, %dma_wait3A] : memref<2x32x!tpu.dma_semaphore, #tpu.memory_space<semaphore_mem>> -> memref<1x1x!tpu.dma_semaphore, #tpu.memory_space<semaphore_mem>>
    %dma_wait3A_13 = tpu.memref_squeeze %dma_wait3A_12 : memref<1x1x!tpu.dma_semaphore, #tpu.memory_space<semaphore_mem>> -> memref<!tpu.dma_semaphore, #tpu.memory_space<semaphore_mem>>
    %dma_wait3A_14 = arith.constant 0 : i32
    %dma_wait3A_15 = arith.constant 0 : i32
    %dma_wait3A_16 = tpu.memref_slice %arg10[%rem3A_0, %dma_wait3A_14, %dma_wait3A_15] : memref<2x1024x2048xf32, #tpu.memory_space<vmem>> -> memref<1x32x2048xf32, #tpu.memory_space<vmem>>
    %dma_wait3A_17 = tpu.memref_squeeze %dma_wait3A_16 : memref<1x32x2048xf32, #tpu.memory_space<vmem>> -> memref<32x2048xf32, #tpu.memory_space<vmem>>
    %dma_wait3A_18 = arith.constant 0 : i32
    %dma_wait3A_19 = arith.constant 0 : i32
    %dma_wait3A_20 = tpu.memref_slice %arg3[%arg0, %dma_wait3A_18, %dma_wait3A_19] : memref<8x1024x2048xf32, #tpu.memory_space<any>> -> memref<1x32x2048xf32, #tpu.memory_space<any>>
    %dma_wait3A_21 = tpu.memref_squeeze %dma_wait3A_20 : memref<1x32x2048xf32, #tpu.memory_space<any>> -> memref<32x2048xf32, #tpu.memory_space<any>>
    tpu.wait_dma2 semaphore(%dma_wait3A_13 : memref<!tpu.dma_semaphore, #tpu.memory_space<semaphore_mem>>) src(%dma_wait3A_21 : memref<32x2048xf32, #tpu.memory_space<any>>) dst(%dma_wait3A_17 : memref<32x2048xf32, #tpu.memory_space<vmem>>)
    %dma_wait3A_22 = arith.constant 1 : i32
    %dma_wait3A_23 = tpu.memref_slice %arg12[%rem3A_0, %dma_wait3A_22] : memref<2x32x!tpu.dma_semaphore, #tpu.memory_space<semaphore_mem>> -> memref<1x1x!tpu.dma_semaphore, #tpu.memory_space<semaphore_mem>>
    %dma_wait3A_24 = tpu.memref_squeeze %dma_wait3A_23 : memref<1x1x!tpu.dma_semaphore, #tpu.memory_space<semaphore_mem>> -> memref<!tpu.dma_semaphore, #tpu.memory_space<semaphore_mem>>
    %dma_wait3A_25 = arith.constant 32 : i32
    %dma_wait3A_26 = arith.constant 0 : i32
    %dma_wait3A_27 = tpu.memref_slice %arg10[%rem3A_0, %dma_wait3A_25, %dma_wait3A_26] : memref<2x1024x2048xf32, #tpu.memory_space<vmem>> -> memref<1x32x2048xf32, #tpu.memory_space<vmem>>
    %dma_wait3A_28 = tpu.memref_squeeze %dma_wait3A_27 : memref<1x32x2048xf32, #tpu.memory_space<vmem>> -> memref<32x2048xf32, #tpu.memory_space<vmem>>
    %dma_wait3A_29 = arith.constant 32 : i32
    %dma_wait3A_30 = arith.constant 0 : i32
    %dma_wait3A_31 = tpu.memref_slice %arg3[%arg0, %dma_wait3A_29, %dma_wait3A_30] : memref<8x1024x2048xf32, #tpu.memory_space<any>> -> memref<1x32x2048xf32, #tpu.memory_space<any>>
    %dma_wait3A_32 = tpu.memref_squeeze %dma_wait3A_31 : memref<1x32x2048xf32, #tpu.memory_space<any>> -> memref<32x2048xf32, #tpu.memory_space<any>>
    tpu.wait_dma2 semaphore(%dma_wait3A_24 : memref<!tpu.dma_semaphore, #tpu.memory_space<semaphore_mem>>) src(%dma_wait3A_32 : memref<32x2048xf32, #tpu.memory_space<any>>) dst(%dma_wait3A_28 : memref<32x2048xf32, #tpu.memory_space<vmem>>)
    %dma_wait3A_33 = arith.constant 2 : i32
    %dma_wait3A_34 = tpu.memref_slice %arg12[%rem3A_0, %dma_wait3A_33] : memref<2x32x!tpu.dma_semaphore, #tpu.memory_space<semaphore_mem>> -> memref<1x1x!tpu.dma_semaphore, #tpu.memory_space<semaphore_mem>>
    %dma_wait3A_35 = tpu.memref_squeeze %dma_wait3A_34 : memref<1x1x!tpu.dma_semaphore, #tpu.memory_space<semaphore_mem>> -> memref<!tpu.dma_semaphore, #tpu.memory_space<semaphore_mem>>
    %dma_wait3A_36 = arith.constant 64 : i32
    %dma_wait3A_37 = arith.constant 0 : i32
    %dma_wait3A_38 = tpu.memref_slice %arg10[%rem3A_0, %dma_wait3A_36, %dma_wait3A_37] : memref<2x1024x2048xf32, #tpu.memory_space<vmem>> -> memref<1x32x2048xf32, #tpu.memory_space<vmem>>
    %dma_wait3A_39 = tpu.memref_squeeze %dma_wait3A_38 : memref<1x32x2048xf32, #tpu.memory_space<vmem>> -> memref<32x2048xf32, #tpu.memory_space<vmem>>
    %dma_wait3A_40 = arith.constant 64 : i32
    %dma_wait3A_41 = arith.constant 0 : i32
    %dma_wait3A_42 = tpu.memref_slice %arg3[%arg0, %dma_wait3A_40, %dma_wait3A_41] : memref<8x1024x2048xf32, #tpu.memory_space<any>> -> memref<1x32x2048xf32, #tpu.memory_space<any>>
    %dma_wait3A_43 = tpu.memref_squeeze %dma_wait3A_42 : memref<1x32x2048xf32, #tpu.memory_space<any>> -> memref<32x2048xf32, #tpu.memory_space<any>>
    tpu.wait_dma2 semaphore(%dma_wait3A_35 : memref<!tpu.dma_semaphore, #tpu.memory_space<semaphore_mem>>) src(%dma_wait3A_43 : memref<32x2048xf32, #tpu.memory_space<any>>) dst(%dma_wait3A_39 : memref<32x2048xf32, #tpu.memory_space<vmem>>)
    %dma_wait3A_44 = arith.constant 3 : i32
    %dma_wait3A_45 = tpu.memref_slice %arg12[%rem3A_0, %dma_wait3A_44] : memref<2x32x!tpu.dma_semaphore, #tpu.memory_space<semaphore_mem>> -> memref<1x1x!tpu.dma_semaphore, #tpu.memory_space<semaphore_mem>>
    %dma_wait3A_46 = tpu.memref_squeeze %dma_wait3A_45 : memref<1x1x!tpu.dma_semaphore, #tpu.memory_space<semaphore_mem>> -> memref<!tpu.dma_semaphore, #tpu.memory_space<semaphore_mem>>
    %dma_wait3A_47 = arith.constant 96 : i32
    %dma_wait3A_48 = arith.constant 0 : i32
    %dma_wait3A_49 = tpu.memref_slice %arg10[%rem3A_0, %dma_wait3A_47, %dma_wait3A_48] : memref<2x1024x2048xf32, #tpu.memory_space<vmem>> -> memref<1x32x2048xf32, #tpu.memory_space<vmem>>
    %dma_wait3A_50 = tpu.memref_squeeze %dma_wait3A_49 : memref<1x32x2048xf32, #tpu.memory_space<vmem>> -> memref<32x2048xf32, #tpu.memory_space<vmem>>
    %dma_wait3A_51 = arith.constant 96 : i32
    %dma_wait3A_52 = arith.constant 0 : i32
    %dma_wait3A_53 = tpu.memref_slice %arg3[%arg0, %dma_wait3A_51, %dma_wait3A_52] : memref<8x1024x2048xf32, #tpu.memory_space<any>> -> memref<1x32x2048xf32, #tpu.memory_space<any>>
    %dma_wait3A_54 = tpu.memref_squeeze %dma_wait3A_53 : memref<1x32x2048xf32, #tpu.memory_space<any>> -> memref<32x2048xf32, #tpu.memory_space<any>>
    tpu.wait_dma2 semaphore(%dma_wait3A_46 : memref<!tpu.dma_semaphore, #tpu.memory_space<semaphore_mem>>) src(%dma_wait3A_54 : memref<32x2048xf32, #tpu.memory_space<any>>) dst(%dma_wait3A_50 : memref<32x2048xf32, #tpu.memory_space<vmem>>)
    %dma_wait3A_55 = arith.constant 4 : i32
    %dma_wait3A_56 = tpu.memref_slice %arg12[%rem3A_0, %dma_wait3A_55] : memref<2x32x!tpu.dma_semaphore, #tpu.memory_space<semaphore_mem>> -> memref<1x1x!tpu.dma_semaphore, #tpu.memory_space<semaphore_mem>>
    %dma_wait3A_57 = tpu.memref_squeeze %dma_wait3A_56 : memref<1x1x!tpu.dma_semaphore, #tpu.memory_space<semaphore_mem>> -> memref<!tpu.dma_semaphore, #tpu.memory_space<semaphore_mem>>
    %dma_wait3A_58 = arith.constant 128 : i32
    %dma_wait3A_59 = arith.constant 0 : i32
    %dma_wait3A_60 = tpu.memref_slice %arg10[%rem3A_0, %dma_wait3A_58, %dma_wait3A_59] : memref<2x1024x2048xf32, #tpu.memory_space<vmem>> -> memref<1x32x2048xf32, #tpu.memory_space<vmem>>
    %dma_wait3A_61 = tpu.memref_squeeze %dma_wait3A_60 : memref<1x32x2048xf32, #tpu.memory_space<vmem>> -> memref<32x2048xf32, #tpu.memory_space<vmem>>
    %dma_wait3A_62 = arith.constant 128 : i32
    %dma_wait3A_63 = arith.constant 0 : i32
    %dma_wait3A_64 = tpu.memref_slice %arg3[%arg0, %dma_wait3A_62, %dma_wait3A_63] : memref<8x1024x2048xf32, #tpu.memory_space<any>> -> memref<1x32x2048xf32, #tpu.memory_space<any>>
    %dma_wait3A_65 = tpu.memref_squeeze %dma_wait3A_64 : memref<1x32x2048xf32, #tpu.memory_space<any>> -> memref<32x2048xf32, #tpu.memory_space<any>>
    tpu.wait_dma2 semaphore(%dma_wait3A_57 : memref<!tpu.dma_semaphore, #tpu.memory_space<semaphore_mem>>) src(%dma_wait3A_65 : memref<32x2048xf32, #tpu.memory_space<any>>) dst(%dma_wait3A_61 : memref<32x2048xf32, #tpu.memory_space<vmem>>)
    %dma_wait3A_66 = arith.constant 5 : i32
    %dma_wait3A_67 = tpu.memref_slice %arg12[%rem3A_0, %dma_wait3A_66] : memref<2x32x!tpu.dma_semaphore, #tpu.memory_space<semaphore_mem>> -> memref<1x1x!tpu.dma_semaphore, #tpu.memory_space<semaphore_mem>>
    %dma_wait3A_68 = tpu.memref_squeeze %dma_wait3A_67 : memref<1x1x!tpu.dma_semaphore, #tpu.memory_space<semaphore_mem>> -> memref<!tpu.dma_semaphore, #tpu.memory_space<semaphore_mem>>
    %dma_wait3A_69 = arith.constant 160 : i32
    %dma_wait3A_70 = arith.constant 0 : i32
    %dma_wait3A_71 = tpu.memref_slice %arg10[%rem3A_0, %dma_wait3A_69, %dma_wait3A_70] : memref<2x1024x2048xf32, #tpu.memory_space<vmem>> -> memref<1x32x2048xf32, #tpu.memory_space<vmem>>
    %dma_wait3A_72 = tpu.memref_squeeze %dma_wait3A_71 : memref<1x32x2048xf32, #tpu.memory_space<vmem>> -> memref<32x2048xf32, #tpu.memory_space<vmem>>
    %dma_wait3A_73 = arith.constant 160 : i32
    %dma_wait3A_74 = arith.constant 0 : i32
    %dma_wait3A_75 = tpu.memref_slice %arg3[%arg0, %dma_wait3A_73, %dma_wait3A_74] : memref<8x1024x2048xf32, #tpu.memory_space<any>> -> memref<1x32x2048xf32, #tpu.memory_space<any>>
    %dma_wait3A_76 = tpu.memref_squeeze %dma_wait3A_75 : memref<1x32x2048xf32, #tpu.memory_space<any>> -> memref<32x2048xf32, #tpu.memory_space<any>>
    tpu.wait_dma2 semaphore(%dma_wait3A_68 : memref<!tpu.dma_semaphore, #tpu.memory_space<semaphore_mem>>) src(%dma_wait3A_76 : memref<32x2048xf32, #tpu.memory_space<any>>) dst(%dma_wait3A_72 : memref<32x2048xf32, #tpu.memory_space<vmem>>)
    %dma_wait3A_77 = arith.constant 6 : i32
    %dma_wait3A_78 = tpu.memref_slice %arg12[%rem3A_0, %dma_wait3A_77] : memref<2x32x!tpu.dma_semaphore, #tpu.memory_space<semaphore_mem>> -> memref<1x1x!tpu.dma_semaphore, #tpu.memory_space<semaphore_mem>>
    %dma_wait3A_79 = tpu.memref_squeeze %dma_wait3A_78 : memref<1x1x!tpu.dma_semaphore, #tpu.memory_space<semaphore_mem>> -> memref<!tpu.dma_semaphore, #tpu.memory_space<semaphore_mem>>
    %dma_wait3A_80 = arith.constant 192 : i32
    %dma_wait3A_81 = arith.constant 0 : i32
    %dma_wait3A_82 = tpu.memref_slice %arg10[%rem3A_0, %dma_wait3A_80, %dma_wait3A_81] : memref<2x1024x2048xf32, #tpu.memory_space<vmem>> -> memref<1x32x2048xf32, #tpu.memory_space<vmem>>
    %dma_wait3A_83 = tpu.memref_squeeze %dma_wait3A_82 : memref<1x32x2048xf32, #tpu.memory_space<vmem>> -> memref<32x2048xf32, #tpu.memory_space<vmem>>
    %dma_wait3A_84 = arith.constant 192 : i32
    %dma_wait3A_85 = arith.constant 0 : i32
    %dma_wait3A_86 = tpu.memref_slice %arg3[%arg0, %dma_wait3A_84, %dma_wait3A_85] : memref<8x1024x2048xf32, #tpu.memory_space<any>> -> memref<1x32x2048xf32, #tpu.memory_space<any>>
    %dma_wait3A_87 = tpu.memref_squeeze %dma_wait3A_86 : memref<1x32x2048xf32, #tpu.memory_space<any>> -> memref<32x2048xf32, #tpu.memory_space<any>>
    tpu.wait_dma2 semaphore(%dma_wait3A_79 : memref<!tpu.dma_semaphore, #tpu.memory_space<semaphore_mem>>) src(%dma_wait3A_87 : memref<32x2048xf32, #tpu.memory_space<any>>) dst(%dma_wait3A_83 : memref<32x2048xf32, #tpu.memory_space<vmem>>)
    %dma_wait3A_88 = arith.constant 7 : i32
    %dma_wait3A_89 = tpu.memref_slice %arg12[%rem3A_0, %dma_wait3A_88] : memref<2x32x!tpu.dma_semaphore, #tpu.memory_space<semaphore_mem>> -> memref<1x1x!tpu.dma_semaphore, #tpu.memory_space<semaphore_mem>>
    %dma_wait3A_90 = tpu.memref_squeeze %dma_wait3A_89 : memref<1x1x!tpu.dma_semaphore, #tpu.memory_space<semaphore_mem>> -> memref<!tpu.dma_semaphore, #tpu.memory_space<semaphore_mem>>
    %dma_wait3A_91 = arith.constant 224 : i32
    %dma_wait3A_92 = arith.constant 0 : i32
    %dma_wait3A_93 = tpu.memref_slice %arg10[%rem3A_0, %dma_wait3A_91, %dma_wait3A_92] : memref<2x1024x2048xf32, #tpu.memory_space<vmem>> -> memref<1x32x2048xf32, #tpu.memory_space<vmem>>
    %dma_wait3A_94 = tpu.memref_squeeze %dma_wait3A_93 : memref<1x32x2048xf32, #tpu.memory_space<vmem>> -> memref<32x2048xf32, #tpu.memory_space<vmem>>
    %dma_wait3A_95 = arith.constant 224 : i32
    %dma_wait3A_96 = arith.constant 0 : i32
    %dma_wait3A_97 = tpu.memref_slice %arg3[%arg0, %dma_wait3A_95, %dma_wait3A_96] : memref<8x1024x2048xf32, #tpu.memory_space<any>> -> memref<1x32x2048xf32, #tpu.memory_space<any>>
    %dma_wait3A_98 = tpu.memref_squeeze %dma_wait3A_97 : memref<1x32x2048xf32, #tpu.memory_space<any>> -> memref<32x2048xf32, #tpu.memory_space<any>>
    tpu.wait_dma2 semaphore(%dma_wait3A_90 : memref<!tpu.dma_semaphore, #tpu.memory_space<semaphore_mem>>) src(%dma_wait3A_98 : memref<32x2048xf32, #tpu.memory_space<any>>) dst(%dma_wait3A_94 : memref<32x2048xf32, #tpu.memory_space<vmem>>)
    %dma_wait3A_99 = arith.constant 8 : i32
    %dma_wait3A_100 = tpu.memref_slice %arg12[%rem3A_0, %dma_wait3A_99] : memref<2x32x!tpu.dma_semaphore, #tpu.memory_space<semaphore_mem>> -> memref<1x1x!tpu.dma_semaphore, #tpu.memory_space<semaphore_mem>>
    %dma_wait3A_101 = tpu.memref_squeeze %dma_wait3A_100 : memref<1x1x!tpu.dma_semaphore, #tpu.memory_space<semaphore_mem>> -> memref<!tpu.dma_semaphore, #tpu.memory_space<semaphore_mem>>
    %dma_wait3A_102 = arith.constant 256 : i32
    %dma_wait3A_103 = arith.constant 0 : i32
    %dma_wait3A_104 = tpu.memref_slice %arg10[%rem3A_0, %dma_wait3A_102, %dma_wait3A_103] : memref<2x1024x2048xf32, #tpu.memory_space<vmem>> -> memref<1x32x2048xf32, #tpu.memory_space<vmem>>
    %dma_wait3A_105 = tpu.memref_squeeze %dma_wait3A_104 : memref<1x32x2048xf32, #tpu.memory_space<vmem>> -> memref<32x2048xf32, #tpu.memory_space<vmem>>
    %dma_wait3A_106 = arith.constant 256 : i32
    %dma_wait3A_107 = arith.constant 0 : i32
    %dma_wait3A_108 = tpu.memref_slice %arg3[%arg0, %dma_wait3A_106, %dma_wait3A_107] : memref<8x1024x2048xf32, #tpu.memory_space<any>> -> memref<1x32x2048xf32, #tpu.memory_space<any>>
    %dma_wait3A_109 = tpu.memref_squeeze %dma_wait3A_108 : memref<1x32x2048xf32, #tpu.memory_space<any>> -> memref<32x2048xf32, #tpu.memory_space<any>>
    tpu.wait_dma2 semaphore(%dma_wait3A_101 : memref<!tpu.dma_semaphore, #tpu.memory_space<semaphore_mem>>) src(%dma_wait3A_109 : memref<32x2048xf32, #tpu.memory_space<any>>) dst(%dma_wait3A_105 : memref<32x2048xf32, #tpu.memory_space<vmem>>)
    %dma_wait3A_110 = arith.constant 9 : i32
    %dma_wait3A_111 = tpu.memref_slice %arg12[%rem3A_0, %dma_wait3A_110] : memref<2x32x!tpu.dma_semaphore, #tpu.memory_space<semaphore_mem>> -> memref<1x1x!tpu.dma_semaphore, #tpu.memory_space<semaphore_mem>>
    %dma_wait3A_112 = tpu.memref_squeeze %dma_wait3A_111 : memref<1x1x!tpu.dma_semaphore, #tpu.memory_space<semaphore_mem>> -> memref<!tpu.dma_semaphore, #tpu.memory_space<semaphore_mem>>
    %dma_wait3A_113 = arith.constant 288 : i32
    %dma_wait3A_114 = arith.constant 0 : i32
    %dma_wait3A_115 = tpu.memref_slice %arg10[%rem3A_0, %dma_wait3A_113, %dma_wait3A_114] : memref<2x1024x2048xf32, #tpu.memory_space<vmem>> -> memref<1x32x2048xf32, #tpu.memory_space<vmem>>
    %dma_wait3A_116 = tpu.memref_squeeze %dma_wait3A_115 : memref<1x32x2048xf32, #tpu.memory_space<vmem>> -> memref<32x2048xf32, #tpu.memory_space<vmem>>
    %dma_wait3A_117 = arith.constant 288 : i32
    %dma_wait3A_118 = arith.constant 0 : i32
    %dma_wait3A_119 = tpu.memref_slice %arg3[%arg0, %dma_wait3A_117, %dma_wait3A_118] : memref<8x1024x2048xf32, #tpu.memory_space<any>> -> memref<1x32x2048xf32, #tpu.memory_space<any>>
    %dma_wait3A_120 = tpu.memref_squeeze %dma_wait3A_119 : memref<1x32x2048xf32, #tpu.memory_space<any>> -> memref<32x2048xf32, #tpu.memory_space<any>>
    tpu.wait_dma2 semaphore(%dma_wait3A_112 : memref<!tpu.dma_semaphore, #tpu.memory_space<semaphore_mem>>) src(%dma_wait3A_120 : memref<32x2048xf32, #tpu.memory_space<any>>) dst(%dma_wait3A_116 : memref<32x2048xf32, #tpu.memory_space<vmem>>)
    %dma_wait3A_121 = arith.constant 10 : i32
    %dma_wait3A_122 = tpu.memref_slice %arg12[%rem3A_0, %dma_wait3A_121] : memref<2x32x!tpu.dma_semaphore, #tpu.memory_space<semaphore_mem>> -> memref<1x1x!tpu.dma_semaphore, #tpu.memory_space<semaphore_mem>>
    %dma_wait3A_123 = tpu.memref_squeeze %dma_wait3A_122 : memref<1x1x!tpu.dma_semaphore, #tpu.memory_space<semaphore_mem>> -> memref<!tpu.dma_semaphore, #tpu.memory_space<semaphore_mem>>
    %dma_wait3A_124 = arith.constant 320 : i32
    %dma_wait3A_125 = arith.constant 0 : i32
    %dma_wait3A_126 = tpu.memref_slice %arg10[%rem3A_0, %dma_wait3A_124, %dma_wait3A_125] : memref<2x1024x2048xf32, #tpu.memory_space<vmem>> -> memref<1x32x2048xf32, #tpu.memory_space<vmem>>
    %dma_wait3A_127 = tpu.memref_squeeze %dma_wait3A_126 : memref<1x32x2048xf32, #tpu.memory_space<vmem>> -> memref<32x2048xf32, #tpu.memory_space<vmem>>
    %dma_wait3A_128 = arith.constant 320 : i32
    %dma_wait3A_129 = arith.constant 0 : i32
    %dma_wait3A_130 = tpu.memref_slice %arg3[%arg0, %dma_wait3A_128, %dma_wait3A_129] : memref<8x1024x2048xf32, #tpu.memory_space<any>> -> memref<1x32x2048xf32, #tpu.memory_space<any>>
    %dma_wait3A_131 = tpu.memref_squeeze %dma_wait3A_130 : memref<1x32x2048xf32, #tpu.memory_space<any>> -> memref<32x2048xf32, #tpu.memory_space<any>>
    tpu.wait_dma2 semaphore(%dma_wait3A_123 : memref<!tpu.dma_semaphore, #tpu.memory_space<semaphore_mem>>) src(%dma_wait3A_131 : memref<32x2048xf32, #tpu.memory_space<any>>) dst(%dma_wait3A_127 : memref<32x2048xf32, #tpu.memory_space<vmem>>)
    %dma_wait3A_132 = arith.constant 11 : i32
    %dma_wait3A_133 = tpu.memref_slice %arg12[%rem3A_0, %dma_wait3A_132] : memref<2x32x!tpu.dma_semaphore, #tpu.memory_space<semaphore_mem>> -> memref<1x1x!tpu.dma_semaphore, #tpu.memory_space<semaphore_mem>>
    %dma_wait3A_134 = tpu.memref_squeeze %dma_wait3A_133 : memref<1x1x!tpu.dma_semaphore, #tpu.memory_space<semaphore_mem>> -> memref<!tpu.dma_semaphore, #tpu.memory_space<semaphore_mem>>
    %dma_wait3A_135 = arith.constant 352 : i32
    %dma_wait3A_136 = arith.constant 0 : i32
    %dma_wait3A_137 = tpu.memref_slice %arg10[%rem3A_0, %dma_wait3A_135, %dma_wait3A_136] : memref<2x1024x2048xf32, #tpu.memory_space<vmem>> -> memref<1x32x2048xf32, #tpu.memory_space<vmem>>
    %dma_wait3A_138 = tpu.memref_squeeze %dma_wait3A_137 : memref<1x32x2048xf32, #tpu.memory_space<vmem>> -> memref<32x2048xf32, #tpu.memory_space<vmem>>
    %dma_wait3A_139 = arith.constant 352 : i32
    %dma_wait3A_140 = arith.constant 0 : i32
    %dma_wait3A_141 = tpu.memref_slice %arg3[%arg0, %dma_wait3A_139, %dma_wait3A_140] : memref<8x1024x2048xf32, #tpu.memory_space<any>> -> memref<1x32x2048xf32, #tpu.memory_space<any>>
    %dma_wait3A_142 = tpu.memref_squeeze %dma_wait3A_141 : memref<1x32x2048xf32, #tpu.memory_space<any>> -> memref<32x2048xf32, #tpu.memory_space<any>>
    tpu.wait_dma2 semaphore(%dma_wait3A_134 : memref<!tpu.dma_semaphore, #tpu.memory_space<semaphore_mem>>) src(%dma_wait3A_142 : memref<32x2048xf32, #tpu.memory_space<any>>) dst(%dma_wait3A_138 : memref<32x2048xf32, #tpu.memory_space<vmem>>)
    %dma_wait3A_143 = arith.constant 12 : i32
    %dma_wait3A_144 = tpu.memref_slice %arg12[%rem3A_0, %dma_wait3A_143] : memref<2x32x!tpu.dma_semaphore, #tpu.memory_space<semaphore_mem>> -> memref<1x1x!tpu.dma_semaphore, #tpu.memory_space<semaphore_mem>>
    %dma_wait3A_145 = tpu.memref_squeeze %dma_wait3A_144 : memref<1x1x!tpu.dma_semaphore, #tpu.memory_space<semaphore_mem>> -> memref<!tpu.dma_semaphore, #tpu.memory_space<semaphore_mem>>
    %dma_wait3A_146 = arith.constant 384 : i32
    %dma_wait3A_147 = arith.constant 0 : i32
    %dma_wait3A_148 = tpu.memref_slice %arg10[%rem3A_0, %dma_wait3A_146, %dma_wait3A_147] : memref<2x1024x2048xf32, #tpu.memory_space<vmem>> -> memref<1x32x2048xf32, #tpu.memory_space<vmem>>
    %dma_wait3A_149 = tpu.memref_squeeze %dma_wait3A_148 : memref<1x32x2048xf32, #tpu.memory_space<vmem>> -> memref<32x2048xf32, #tpu.memory_space<vmem>>
    %dma_wait3A_150 = arith.constant 384 : i32
    %dma_wait3A_151 = arith.constant 0 : i32
    %dma_wait3A_152 = tpu.memref_slice %arg3[%arg0, %dma_wait3A_150, %dma_wait3A_151] : memref<8x1024x2048xf32, #tpu.memory_space<any>> -> memref<1x32x2048xf32, #tpu.memory_space<any>>
    %dma_wait3A_153 = tpu.memref_squeeze %dma_wait3A_152 : memref<1x32x2048xf32, #tpu.memory_space<any>> -> memref<32x2048xf32, #tpu.memory_space<any>>
    tpu.wait_dma2 semaphore(%dma_wait3A_145 : memref<!tpu.dma_semaphore, #tpu.memory_space<semaphore_mem>>) src(%dma_wait3A_153 : memref<32x2048xf32, #tpu.memory_space<any>>) dst(%dma_wait3A_149 : memref<32x2048xf32, #tpu.memory_space<vmem>>)
    %dma_wait3A_154 = arith.constant 13 : i32
    %dma_wait3A_155 = tpu.memref_slice %arg12[%rem3A_0, %dma_wait3A_154] : memref<2x32x!tpu.dma_semaphore, #tpu.memory_space<semaphore_mem>> -> memref<1x1x!tpu.dma_semaphore, #tpu.memory_space<semaphore_mem>>
    %dma_wait3A_156 = tpu.memref_squeeze %dma_wait3A_155 : memref<1x1x!tpu.dma_semaphore, #tpu.memory_space<semaphore_mem>> -> memref<!tpu.dma_semaphore, #tpu.memory_space<semaphore_mem>>
    %dma_wait3A_157 = arith.constant 416 : i32
    %dma_wait3A_158 = arith.constant 0 : i32
    %dma_wait3A_159 = tpu.memref_slice %arg10[%rem3A_0, %dma_wait3A_157, %dma_wait3A_158] : memref<2x1024x2048xf32, #tpu.memory_space<vmem>> -> memref<1x32x2048xf32, #tpu.memory_space<vmem>>
    %dma_wait3A_160 = tpu.memref_squeeze %dma_wait3A_159 : memref<1x32x2048xf32, #tpu.memory_space<vmem>> -> memref<32x2048xf32, #tpu.memory_space<vmem>>
    %dma_wait3A_161 = arith.constant 416 : i32
    %dma_wait3A_162 = arith.constant 0 : i32
    %dma_wait3A_163 = tpu.memref_slice %arg3[%arg0, %dma_wait3A_161, %dma_wait3A_162] : memref<8x1024x2048xf32, #tpu.memory_space<any>> -> memref<1x32x2048xf32, #tpu.memory_space<any>>
    %dma_wait3A_164 = tpu.memref_squeeze %dma_wait3A_163 : memref<1x32x2048xf32, #tpu.memory_space<any>> -> memref<32x2048xf32, #tpu.memory_space<any>>
    tpu.wait_dma2 semaphore(%dma_wait3A_156 : memref<!tpu.dma_semaphore, #tpu.memory_space<semaphore_mem>>) src(%dma_wait3A_164 : memref<32x2048xf32, #tpu.memory_space<any>>) dst(%dma_wait3A_160 : memref<32x2048xf32, #tpu.memory_space<vmem>>)
    %dma_wait3A_165 = arith.constant 14 : i32
    %dma_wait3A_166 = tpu.memref_slice %arg12[%rem3A_0, %dma_wait3A_165] : memref<2x32x!tpu.dma_semaphore, #tpu.memory_space<semaphore_mem>> -> memref<1x1x!tpu.dma_semaphore, #tpu.memory_space<semaphore_mem>>
    %dma_wait3A_167 = tpu.memref_squeeze %dma_wait3A_166 : memref<1x1x!tpu.dma_semaphore, #tpu.memory_space<semaphore_mem>> -> memref<!tpu.dma_semaphore, #tpu.memory_space<semaphore_mem>>
    %dma_wait3A_168 = arith.constant 448 : i32
    %dma_wait3A_169 = arith.constant 0 : i32
    %dma_wait3A_170 = tpu.memref_slice %arg10[%rem3A_0, %dma_wait3A_168, %dma_wait3A_169] : memref<2x1024x2048xf32, #tpu.memory_space<vmem>> -> memref<1x32x2048xf32, #tpu.memory_space<vmem>>
    %dma_wait3A_171 = tpu.memref_squeeze %dma_wait3A_170 : memref<1x32x2048xf32, #tpu.memory_space<vmem>> -> memref<32x2048xf32, #tpu.memory_space<vmem>>
    %dma_wait3A_172 = arith.constant 448 : i32
    %dma_wait3A_173 = arith.constant 0 : i32
    %dma_wait3A_174 = tpu.memref_slice %arg3[%arg0, %dma_wait3A_172, %dma_wait3A_173] : memref<8x1024x2048xf32, #tpu.memory_space<any>> -> memref<1x32x2048xf32, #tpu.memory_space<any>>
    %dma_wait3A_175 = tpu.memref_squeeze %dma_wait3A_174 : memref<1x32x2048xf32, #tpu.memory_space<any>> -> memref<32x2048xf32, #tpu.memory_space<any>>
    tpu.wait_dma2 semaphore(%dma_wait3A_167 : memref<!tpu.dma_semaphore, #tpu.memory_space<semaphore_mem>>) src(%dma_wait3A_175 : memref<32x2048xf32, #tpu.memory_space<any>>) dst(%dma_wait3A_171 : memref<32x2048xf32, #tpu.memory_space<vmem>>)
    %dma_wait3A_176 = arith.constant 15 : i32
    %dma_wait3A_177 = tpu.memref_slice %arg12[%rem3A_0, %dma_wait3A_176] : memref<2x32x!tpu.dma_semaphore, #tpu.memory_space<semaphore_mem>> -> memref<1x1x!tpu.dma_semaphore, #tpu.memory_space<semaphore_mem>>
    %dma_wait3A_178 = tpu.memref_squeeze %dma_wait3A_177 : memref<1x1x!tpu.dma_semaphore, #tpu.memory_space<semaphore_mem>> -> memref<!tpu.dma_semaphore, #tpu.memory_space<semaphore_mem>>
    %dma_wait3A_179 = arith.constant 480 : i32
    %dma_wait3A_180 = arith.constant 0 : i32
    %dma_wait3A_181 = tpu.memref_slice %arg10[%rem3A_0, %dma_wait3A_179, %dma_wait3A_180] : memref<2x1024x2048xf32, #tpu.memory_space<vmem>> -> memref<1x32x2048xf32, #tpu.memory_space<vmem>>
    %dma_wait3A_182 = tpu.memref_squeeze %dma_wait3A_181 : memref<1x32x2048xf32, #tpu.memory_space<vmem>> -> memref<32x2048xf32, #tpu.memory_space<vmem>>
    %dma_wait3A_183 = arith.constant 480 : i32
    %dma_wait3A_184 = arith.constant 0 : i32
    %dma_wait3A_185 = tpu.memref_slice %arg3[%arg0, %dma_wait3A_183, %dma_wait3A_184] : memref<8x1024x2048xf32, #tpu.memory_space<any>> -> memref<1x32x2048xf32, #tpu.memory_space<any>>
    %dma_wait3A_186 = tpu.memref_squeeze %dma_wait3A_185 : memref<1x32x2048xf32, #tpu.memory_space<any>> -> memref<32x2048xf32, #tpu.memory_space<any>>
    tpu.wait_dma2 semaphore(%dma_wait3A_178 : memref<!tpu.dma_semaphore, #tpu.memory_space<semaphore_mem>>) src(%dma_wait3A_186 : memref<32x2048xf32, #tpu.memory_space<any>>) dst(%dma_wait3A_182 : memref<32x2048xf32, #tpu.memory_space<vmem>>)
    %dma_wait3A_187 = arith.constant 16 : i32
    %dma_wait3A_188 = tpu.memref_slice %arg12[%rem3A_0, %dma_wait3A_187] : memref<2x32x!tpu.dma_semaphore, #tpu.memory_space<semaphore_mem>> -> memref<1x1x!tpu.dma_semaphore, #tpu.memory_space<semaphore_mem>>
    %dma_wait3A_189 = tpu.memref_squeeze %dma_wait3A_188 : memref<1x1x!tpu.dma_semaphore, #tpu.memory_space<semaphore_mem>> -> memref<!tpu.dma_semaphore, #tpu.memory_space<semaphore_mem>>
    %dma_wait3A_190 = arith.constant 512 : i32
    %dma_wait3A_191 = arith.constant 0 : i32
    %dma_wait3A_192 = tpu.memref_slice %arg10[%rem3A_0, %dma_wait3A_190, %dma_wait3A_191] : memref<2x1024x2048xf32, #tpu.memory_space<vmem>> -> memref<1x32x2048xf32, #tpu.memory_space<vmem>>
    %dma_wait3A_193 = tpu.memref_squeeze %dma_wait3A_192 : memref<1x32x2048xf32, #tpu.memory_space<vmem>> -> memref<32x2048xf32, #tpu.memory_space<vmem>>
    %dma_wait3A_194 = arith.constant 512 : i32
    %dma_wait3A_195 = arith.constant 0 : i32
    %dma_wait3A_196 = tpu.memref_slice %arg3[%arg0, %dma_wait3A_194, %dma_wait3A_195] : memref<8x1024x2048xf32, #tpu.memory_space<any>> -> memref<1x32x2048xf32, #tpu.memory_space<any>>
    %dma_wait3A_197 = tpu.memref_squeeze %dma_wait3A_196 : memref<1x32x2048xf32, #tpu.memory_space<any>> -> memref<32x2048xf32, #tpu.memory_space<any>>
    tpu.wait_dma2 semaphore(%dma_wait3A_189 : memref<!tpu.dma_semaphore, #tpu.memory_space<semaphore_mem>>) src(%dma_wait3A_197 : memref<32x2048xf32, #tpu.memory_space<any>>) dst(%dma_wait3A_193 : memref<32x2048xf32, #tpu.memory_space<vmem>>)
    %dma_wait3A_198 = arith.constant 17 : i32
    %dma_wait3A_199 = tpu.memref_slice %arg12[%rem3A_0, %dma_wait3A_198] : memref<2x32x!tpu.dma_semaphore, #tpu.memory_space<semaphore_mem>> -> memref<1x1x!tpu.dma_semaphore, #tpu.memory_space<semaphore_mem>>
    %dma_wait3A_200 = tpu.memref_squeeze %dma_wait3A_199 : memref<1x1x!tpu.dma_semaphore, #tpu.memory_space<semaphore_mem>> -> memref<!tpu.dma_semaphore, #tpu.memory_space<semaphore_mem>>
    %dma_wait3A_201 = arith.constant 544 : i32
    %dma_wait3A_202 = arith.constant 0 : i32
    %dma_wait3A_203 = tpu.memref_slice %arg10[%rem3A_0, %dma_wait3A_201, %dma_wait3A_202] : memref<2x1024x2048xf32, #tpu.memory_space<vmem>> -> memref<1x32x2048xf32, #tpu.memory_space<vmem>>
    %dma_wait3A_204 = tpu.memref_squeeze %dma_wait3A_203 : memref<1x32x2048xf32, #tpu.memory_space<vmem>> -> memref<32x2048xf32, #tpu.memory_space<vmem>>
    %dma_wait3A_205 = arith.constant 544 : i32
    %dma_wait3A_206 = arith.constant 0 : i32
    %dma_wait3A_207 = tpu.memref_slice %arg3[%arg0, %dma_wait3A_205, %dma_wait3A_206] : memref<8x1024x2048xf32, #tpu.memory_space<any>> -> memref<1x32x2048xf32, #tpu.memory_space<any>>
    %dma_wait3A_208 = tpu.memref_squeeze %dma_wait3A_207 : memref<1x32x2048xf32, #tpu.memory_space<any>> -> memref<32x2048xf32, #tpu.memory_space<any>>
    tpu.wait_dma2 semaphore(%dma_wait3A_200 : memref<!tpu.dma_semaphore, #tpu.memory_space<semaphore_mem>>) src(%dma_wait3A_208 : memref<32x2048xf32, #tpu.memory_space<any>>) dst(%dma_wait3A_204 : memref<32x2048xf32, #tpu.memory_space<vmem>>)
    %dma_wait3A_209 = arith.constant 18 : i32
    %dma_wait3A_210 = tpu.memref_slice %arg12[%rem3A_0, %dma_wait3A_209] : memref<2x32x!tpu.dma_semaphore, #tpu.memory_space<semaphore_mem>> -> memref<1x1x!tpu.dma_semaphore, #tpu.memory_space<semaphore_mem>>
    %dma_wait3A_211 = tpu.memref_squeeze %dma_wait3A_210 : memref<1x1x!tpu.dma_semaphore, #tpu.memory_space<semaphore_mem>> -> memref<!tpu.dma_semaphore, #tpu.memory_space<semaphore_mem>>
    %dma_wait3A_212 = arith.constant 576 : i32
    %dma_wait3A_213 = arith.constant 0 : i32
    %dma_wait3A_214 = tpu.memref_slice %arg10[%rem3A_0, %dma_wait3A_212, %dma_wait3A_213] : memref<2x1024x2048xf32, #tpu.memory_space<vmem>> -> memref<1x32x2048xf32, #tpu.memory_space<vmem>>
    %dma_wait3A_215 = tpu.memref_squeeze %dma_wait3A_214 : memref<1x32x2048xf32, #tpu.memory_space<vmem>> -> memref<32x2048xf32, #tpu.memory_space<vmem>>
    %dma_wait3A_216 = arith.constant 576 : i32
    %dma_wait3A_217 = arith.constant 0 : i32
    %dma_wait3A_218 = tpu.memref_slice %arg3[%arg0, %dma_wait3A_216, %dma_wait3A_217] : memref<8x1024x2048xf32, #tpu.memory_space<any>> -> memref<1x32x2048xf32, #tpu.memory_space<any>>
    %dma_wait3A_219 = tpu.memref_squeeze %dma_wait3A_218 : memref<1x32x2048xf32, #tpu.memory_space<any>> -> memref<32x2048xf32, #tpu.memory_space<any>>
    tpu.wait_dma2 semaphore(%dma_wait3A_211 : memref<!tpu.dma_semaphore, #tpu.memory_space<semaphore_mem>>) src(%dma_wait3A_219 : memref<32x2048xf32, #tpu.memory_space<any>>) dst(%dma_wait3A_215 : memref<32x2048xf32, #tpu.memory_space<vmem>>)
    %dma_wait3A_220 = arith.constant 19 : i32
    %dma_wait3A_221 = tpu.memref_slice %arg12[%rem3A_0, %dma_wait3A_220] : memref<2x32x!tpu.dma_semaphore, #tpu.memory_space<semaphore_mem>> -> memref<1x1x!tpu.dma_semaphore, #tpu.memory_space<semaphore_mem>>
    %dma_wait3A_222 = tpu.memref_squeeze %dma_wait3A_221 : memref<1x1x!tpu.dma_semaphore, #tpu.memory_space<semaphore_mem>> -> memref<!tpu.dma_semaphore, #tpu.memory_space<semaphore_mem>>
    %dma_wait3A_223 = arith.constant 608 : i32
    %dma_wait3A_224 = arith.constant 0 : i32
    %dma_wait3A_225 = tpu.memref_slice %arg10[%rem3A_0, %dma_wait3A_223, %dma_wait3A_224] : memref<2x1024x2048xf32, #tpu.memory_space<vmem>> -> memref<1x32x2048xf32, #tpu.memory_space<vmem>>
    %dma_wait3A_226 = tpu.memref_squeeze %dma_wait3A_225 : memref<1x32x2048xf32, #tpu.memory_space<vmem>> -> memref<32x2048xf32, #tpu.memory_space<vmem>>
    %dma_wait3A_227 = arith.constant 608 : i32
    %dma_wait3A_228 = arith.constant 0 : i32
    %dma_wait3A_229 = tpu.memref_slice %arg3[%arg0, %dma_wait3A_227, %dma_wait3A_228] : memref<8x1024x2048xf32, #tpu.memory_space<any>> -> memref<1x32x2048xf32, #tpu.memory_space<any>>
    %dma_wait3A_230 = tpu.memref_squeeze %dma_wait3A_229 : memref<1x32x2048xf32, #tpu.memory_space<any>> -> memref<32x2048xf32, #tpu.memory_space<any>>
    tpu.wait_dma2 semaphore(%dma_wait3A_222 : memref<!tpu.dma_semaphore, #tpu.memory_space<semaphore_mem>>) src(%dma_wait3A_230 : memref<32x2048xf32, #tpu.memory_space<any>>) dst(%dma_wait3A_226 : memref<32x2048xf32, #tpu.memory_space<vmem>>)
    %dma_wait3A_231 = arith.constant 20 : i32
    %dma_wait3A_232 = tpu.memref_slice %arg12[%rem3A_0, %dma_wait3A_231] : memref<2x32x!tpu.dma_semaphore, #tpu.memory_space<semaphore_mem>> -> memref<1x1x!tpu.dma_semaphore, #tpu.memory_space<semaphore_mem>>
    %dma_wait3A_233 = tpu.memref_squeeze %dma_wait3A_232 : memref<1x1x!tpu.dma_semaphore, #tpu.memory_space<semaphore_mem>> -> memref<!tpu.dma_semaphore, #tpu.memory_space<semaphore_mem>>
    %dma_wait3A_234 = arith.constant 640 : i32
    %dma_wait3A_235 = arith.constant 0 : i32
    %dma_wait3A_236 = tpu.memref_slice %arg10[%rem3A_0, %dma_wait3A_234, %dma_wait3A_235] : memref<2x1024x2048xf32, #tpu.memory_space<vmem>> -> memref<1x32x2048xf32, #tpu.memory_space<vmem>>
    %dma_wait3A_237 = tpu.memref_squeeze %dma_wait3A_236 : memref<1x32x2048xf32, #tpu.memory_space<vmem>> -> memref<32x2048xf32, #tpu.memory_space<vmem>>
    %dma_wait3A_238 = arith.constant 640 : i32
    %dma_wait3A_239 = arith.constant 0 : i32
    %dma_wait3A_240 = tpu.memref_slice %arg3[%arg0, %dma_wait3A_238, %dma_wait3A_239] : memref<8x1024x2048xf32, #tpu.memory_space<any>> -> memref<1x32x2048xf32, #tpu.memory_space<any>>
    %dma_wait3A_241 = tpu.memref_squeeze %dma_wait3A_240 : memref<1x32x2048xf32, #tpu.memory_space<any>> -> memref<32x2048xf32, #tpu.memory_space<any>>
    tpu.wait_dma2 semaphore(%dma_wait3A_233 : memref<!tpu.dma_semaphore, #tpu.memory_space<semaphore_mem>>) src(%dma_wait3A_241 : memref<32x2048xf32, #tpu.memory_space<any>>) dst(%dma_wait3A_237 : memref<32x2048xf32, #tpu.memory_space<vmem>>)
    %dma_wait3A_242 = arith.constant 21 : i32
    %dma_wait3A_243 = tpu.memref_slice %arg12[%rem3A_0, %dma_wait3A_242] : memref<2x32x!tpu.dma_semaphore, #tpu.memory_space<semaphore_mem>> -> memref<1x1x!tpu.dma_semaphore, #tpu.memory_space<semaphore_mem>>
    %dma_wait3A_244 = tpu.memref_squeeze %dma_wait3A_243 : memref<1x1x!tpu.dma_semaphore, #tpu.memory_space<semaphore_mem>> -> memref<!tpu.dma_semaphore, #tpu.memory_space<semaphore_mem>>
    %dma_wait3A_245 = arith.constant 672 : i32
    %dma_wait3A_246 = arith.constant 0 : i32
    %dma_wait3A_247 = tpu.memref_slice %arg10[%rem3A_0, %dma_wait3A_245, %dma_wait3A_246] : memref<2x1024x2048xf32, #tpu.memory_space<vmem>> -> memref<1x32x2048xf32, #tpu.memory_space<vmem>>
    %dma_wait3A_248 = tpu.memref_squeeze %dma_wait3A_247 : memref<1x32x2048xf32, #tpu.memory_space<vmem>> -> memref<32x2048xf32, #tpu.memory_space<vmem>>
    %dma_wait3A_249 = arith.constant 672 : i32
    %dma_wait3A_250 = arith.constant 0 : i32
    %dma_wait3A_251 = tpu.memref_slice %arg3[%arg0, %dma_wait3A_249, %dma_wait3A_250] : memref<8x1024x2048xf32, #tpu.memory_space<any>> -> memref<1x32x2048xf32, #tpu.memory_space<any>>
    %dma_wait3A_252 = tpu.memref_squeeze %dma_wait3A_251 : memref<1x32x2048xf32, #tpu.memory_space<any>> -> memref<32x2048xf32, #tpu.memory_space<any>>
    tpu.wait_dma2 semaphore(%dma_wait3A_244 : memref<!tpu.dma_semaphore, #tpu.memory_space<semaphore_mem>>) src(%dma_wait3A_252 : memref<32x2048xf32, #tpu.memory_space<any>>) dst(%dma_wait3A_248 : memref<32x2048xf32, #tpu.memory_space<vmem>>)
    %dma_wait3A_253 = arith.constant 22 : i32
    %dma_wait3A_254 = tpu.memref_slice %arg12[%rem3A_0, %dma_wait3A_253] : memref<2x32x!tpu.dma_semaphore, #tpu.memory_space<semaphore_mem>> -> memref<1x1x!tpu.dma_semaphore, #tpu.memory_space<semaphore_mem>>
    %dma_wait3A_255 = tpu.memref_squeeze %dma_wait3A_254 : memref<1x1x!tpu.dma_semaphore, #tpu.memory_space<semaphore_mem>> -> memref<!tpu.dma_semaphore, #tpu.memory_space<semaphore_mem>>
    %dma_wait3A_256 = arith.constant 704 : i32
    %dma_wait3A_257 = arith.constant 0 : i32
    %dma_wait3A_258 = tpu.memref_slice %arg10[%rem3A_0, %dma_wait3A_256, %dma_wait3A_257] : memref<2x1024x2048xf32, #tpu.memory_space<vmem>> -> memref<1x32x2048xf32, #tpu.memory_space<vmem>>
    %dma_wait3A_259 = tpu.memref_squeeze %dma_wait3A_258 : memref<1x32x2048xf32, #tpu.memory_space<vmem>> -> memref<32x2048xf32, #tpu.memory_space<vmem>>
    %dma_wait3A_260 = arith.constant 704 : i32
    %dma_wait3A_261 = arith.constant 0 : i32
    %dma_wait3A_262 = tpu.memref_slice %arg3[%arg0, %dma_wait3A_260, %dma_wait3A_261] : memref<8x1024x2048xf32, #tpu.memory_space<any>> -> memref<1x32x2048xf32, #tpu.memory_space<any>>
    %dma_wait3A_263 = tpu.memref_squeeze %dma_wait3A_262 : memref<1x32x2048xf32, #tpu.memory_space<any>> -> memref<32x2048xf32, #tpu.memory_space<any>>
    tpu.wait_dma2 semaphore(%dma_wait3A_255 : memref<!tpu.dma_semaphore, #tpu.memory_space<semaphore_mem>>) src(%dma_wait3A_263 : memref<32x2048xf32, #tpu.memory_space<any>>) dst(%dma_wait3A_259 : memref<32x2048xf32, #tpu.memory_space<vmem>>)
    %dma_wait3A_264 = arith.constant 23 : i32
    %dma_wait3A_265 = tpu.memref_slice %arg12[%rem3A_0, %dma_wait3A_264] : memref<2x32x!tpu.dma_semaphore, #tpu.memory_space<semaphore_mem>> -> memref<1x1x!tpu.dma_semaphore, #tpu.memory_space<semaphore_mem>>
    %dma_wait3A_266 = tpu.memref_squeeze %dma_wait3A_265 : memref<1x1x!tpu.dma_semaphore, #tpu.memory_space<semaphore_mem>> -> memref<!tpu.dma_semaphore, #tpu.memory_space<semaphore_mem>>
    %dma_wait3A_267 = arith.constant 736 : i32
    %dma_wait3A_268 = arith.constant 0 : i32
    %dma_wait3A_269 = tpu.memref_slice %arg10[%rem3A_0, %dma_wait3A_267, %dma_wait3A_268] : memref<2x1024x2048xf32, #tpu.memory_space<vmem>> -> memref<1x32x2048xf32, #tpu.memory_space<vmem>>
    %dma_wait3A_270 = tpu.memref_squeeze %dma_wait3A_269 : memref<1x32x2048xf32, #tpu.memory_space<vmem>> -> memref<32x2048xf32, #tpu.memory_space<vmem>>
    %dma_wait3A_271 = arith.constant 736 : i32
    %dma_wait3A_272 = arith.constant 0 : i32
    %dma_wait3A_273 = tpu.memref_slice %arg3[%arg0, %dma_wait3A_271, %dma_wait3A_272] : memref<8x1024x2048xf32, #tpu.memory_space<any>> -> memref<1x32x2048xf32, #tpu.memory_space<any>>
    %dma_wait3A_274 = tpu.memref_squeeze %dma_wait3A_273 : memref<1x32x2048xf32, #tpu.memory_space<any>> -> memref<32x2048xf32, #tpu.memory_space<any>>
    tpu.wait_dma2 semaphore(%dma_wait3A_266 : memref<!tpu.dma_semaphore, #tpu.memory_space<semaphore_mem>>) src(%dma_wait3A_274 : memref<32x2048xf32, #tpu.memory_space<any>>) dst(%dma_wait3A_270 : memref<32x2048xf32, #tpu.memory_space<vmem>>)
    %dma_wait3A_275 = arith.constant 24 : i32
    %dma_wait3A_276 = tpu.memref_slice %arg12[%rem3A_0, %dma_wait3A_275] : memref<2x32x!tpu.dma_semaphore, #tpu.memory_space<semaphore_mem>> -> memref<1x1x!tpu.dma_semaphore, #tpu.memory_space<semaphore_mem>>
    %dma_wait3A_277 = tpu.memref_squeeze %dma_wait3A_276 : memref<1x1x!tpu.dma_semaphore, #tpu.memory_space<semaphore_mem>> -> memref<!tpu.dma_semaphore, #tpu.memory_space<semaphore_mem>>
    %dma_wait3A_278 = arith.constant 768 : i32
    %dma_wait3A_279 = arith.constant 0 : i32
    %dma_wait3A_280 = tpu.memref_slice %arg10[%rem3A_0, %dma_wait3A_278, %dma_wait3A_279] : memref<2x1024x2048xf32, #tpu.memory_space<vmem>> -> memref<1x32x2048xf32, #tpu.memory_space<vmem>>
    %dma_wait3A_281 = tpu.memref_squeeze %dma_wait3A_280 : memref<1x32x2048xf32, #tpu.memory_space<vmem>> -> memref<32x2048xf32, #tpu.memory_space<vmem>>
    %dma_wait3A_282 = arith.constant 768 : i32
    %dma_wait3A_283 = arith.constant 0 : i32
    %dma_wait3A_284 = tpu.memref_slice %arg3[%arg0, %dma_wait3A_282, %dma_wait3A_283] : memref<8x1024x2048xf32, #tpu.memory_space<any>> -> memref<1x32x2048xf32, #tpu.memory_space<any>>
    %dma_wait3A_285 = tpu.memref_squeeze %dma_wait3A_284 : memref<1x32x2048xf32, #tpu.memory_space<any>> -> memref<32x2048xf32, #tpu.memory_space<any>>
    tpu.wait_dma2 semaphore(%dma_wait3A_277 : memref<!tpu.dma_semaphore, #tpu.memory_space<semaphore_mem>>) src(%dma_wait3A_285 : memref<32x2048xf32, #tpu.memory_space<any>>) dst(%dma_wait3A_281 : memref<32x2048xf32, #tpu.memory_space<vmem>>)
    %dma_wait3A_286 = arith.constant 25 : i32
    %dma_wait3A_287 = tpu.memref_slice %arg12[%rem3A_0, %dma_wait3A_286] : memref<2x32x!tpu.dma_semaphore, #tpu.memory_space<semaphore_mem>> -> memref<1x1x!tpu.dma_semaphore, #tpu.memory_space<semaphore_mem>>
    %dma_wait3A_288 = tpu.memref_squeeze %dma_wait3A_287 : memref<1x1x!tpu.dma_semaphore, #tpu.memory_space<semaphore_mem>> -> memref<!tpu.dma_semaphore, #tpu.memory_space<semaphore_mem>>
    %dma_wait3A_289 = arith.constant 800 : i32
    %dma_wait3A_290 = arith.constant 0 : i32
    %dma_wait3A_291 = tpu.memref_slice %arg10[%rem3A_0, %dma_wait3A_289, %dma_wait3A_290] : memref<2x1024x2048xf32, #tpu.memory_space<vmem>> -> memref<1x32x2048xf32, #tpu.memory_space<vmem>>
    %dma_wait3A_292 = tpu.memref_squeeze %dma_wait3A_291 : memref<1x32x2048xf32, #tpu.memory_space<vmem>> -> memref<32x2048xf32, #tpu.memory_space<vmem>>
    %dma_wait3A_293 = arith.constant 800 : i32
    %dma_wait3A_294 = arith.constant 0 : i32
    %dma_wait3A_295 = tpu.memref_slice %arg3[%arg0, %dma_wait3A_293, %dma_wait3A_294] : memref<8x1024x2048xf32, #tpu.memory_space<any>> -> memref<1x32x2048xf32, #tpu.memory_space<any>>
    %dma_wait3A_296 = tpu.memref_squeeze %dma_wait3A_295 : memref<1x32x2048xf32, #tpu.memory_space<any>> -> memref<32x2048xf32, #tpu.memory_space<any>>
    tpu.wait_dma2 semaphore(%dma_wait3A_288 : memref<!tpu.dma_semaphore, #tpu.memory_space<semaphore_mem>>) src(%dma_wait3A_296 : memref<32x2048xf32, #tpu.memory_space<any>>) dst(%dma_wait3A_292 : memref<32x2048xf32, #tpu.memory_space<vmem>>)
    %dma_wait3A_297 = arith.constant 26 : i32
    %dma_wait3A_298 = tpu.memref_slice %arg12[%rem3A_0, %dma_wait3A_297] : memref<2x32x!tpu.dma_semaphore, #tpu.memory_space<semaphore_mem>> -> memref<1x1x!tpu.dma_semaphore, #tpu.memory_space<semaphore_mem>>
    %dma_wait3A_299 = tpu.memref_squeeze %dma_wait3A_298 : memref<1x1x!tpu.dma_semaphore, #tpu.memory_space<semaphore_mem>> -> memref<!tpu.dma_semaphore, #tpu.memory_space<semaphore_mem>>
    %dma_wait3A_300 = arith.constant 832 : i32
    %dma_wait3A_301 = arith.constant 0 : i32
    %dma_wait3A_302 = tpu.memref_slice %arg10[%rem3A_0, %dma_wait3A_300, %dma_wait3A_301] : memref<2x1024x2048xf32, #tpu.memory_space<vmem>> -> memref<1x32x2048xf32, #tpu.memory_space<vmem>>
    %dma_wait3A_303 = tpu.memref_squeeze %dma_wait3A_302 : memref<1x32x2048xf32, #tpu.memory_space<vmem>> -> memref<32x2048xf32, #tpu.memory_space<vmem>>
    %dma_wait3A_304 = arith.constant 832 : i32
    %dma_wait3A_305 = arith.constant 0 : i32
    %dma_wait3A_306 = tpu.memref_slice %arg3[%arg0, %dma_wait3A_304, %dma_wait3A_305] : memref<8x1024x2048xf32, #tpu.memory_space<any>> -> memref<1x32x2048xf32, #tpu.memory_space<any>>
    %dma_wait3A_307 = tpu.memref_squeeze %dma_wait3A_306 : memref<1x32x2048xf32, #tpu.memory_space<any>> -> memref<32x2048xf32, #tpu.memory_space<any>>
    tpu.wait_dma2 semaphore(%dma_wait3A_299 : memref<!tpu.dma_semaphore, #tpu.memory_space<semaphore_mem>>) src(%dma_wait3A_307 : memref<32x2048xf32, #tpu.memory_space<any>>) dst(%dma_wait3A_303 : memref<32x2048xf32, #tpu.memory_space<vmem>>)
    %dma_wait3A_308 = arith.constant 27 : i32
    %dma_wait3A_309 = tpu.memref_slice %arg12[%rem3A_0, %dma_wait3A_308] : memref<2x32x!tpu.dma_semaphore, #tpu.memory_space<semaphore_mem>> -> memref<1x1x!tpu.dma_semaphore, #tpu.memory_space<semaphore_mem>>
    %dma_wait3A_310 = tpu.memref_squeeze %dma_wait3A_309 : memref<1x1x!tpu.dma_semaphore, #tpu.memory_space<semaphore_mem>> -> memref<!tpu.dma_semaphore, #tpu.memory_space<semaphore_mem>>
    %dma_wait3A_311 = arith.constant 864 : i32
    %dma_wait3A_312 = arith.constant 0 : i32
    %dma_wait3A_313 = tpu.memref_slice %arg10[%rem3A_0, %dma_wait3A_311, %dma_wait3A_312] : memref<2x1024x2048xf32, #tpu.memory_space<vmem>> -> memref<1x32x2048xf32, #tpu.memory_space<vmem>>
    %dma_wait3A_314 = tpu.memref_squeeze %dma_wait3A_313 : memref<1x32x2048xf32, #tpu.memory_space<vmem>> -> memref<32x2048xf32, #tpu.memory_space<vmem>>
    %dma_wait3A_315 = arith.constant 864 : i32
    %dma_wait3A_316 = arith.constant 0 : i32
    %dma_wait3A_317 = tpu.memref_slice %arg3[%arg0, %dma_wait3A_315, %dma_wait3A_316] : memref<8x1024x2048xf32, #tpu.memory_space<any>> -> memref<1x32x2048xf32, #tpu.memory_space<any>>
    %dma_wait3A_318 = tpu.memref_squeeze %dma_wait3A_317 : memref<1x32x2048xf32, #tpu.memory_space<any>> -> memref<32x2048xf32, #tpu.memory_space<any>>
    tpu.wait_dma2 semaphore(%dma_wait3A_310 : memref<!tpu.dma_semaphore, #tpu.memory_space<semaphore_mem>>) src(%dma_wait3A_318 : memref<32x2048xf32, #tpu.memory_space<any>>) dst(%dma_wait3A_314 : memref<32x2048xf32, #tpu.memory_space<vmem>>)
    %dma_wait3A_319 = arith.constant 28 : i32
    %dma_wait3A_320 = tpu.memref_slice %arg12[%rem3A_0, %dma_wait3A_319] : memref<2x32x!tpu.dma_semaphore, #tpu.memory_space<semaphore_mem>> -> memref<1x1x!tpu.dma_semaphore, #tpu.memory_space<semaphore_mem>>
    %dma_wait3A_321 = tpu.memref_squeeze %dma_wait3A_320 : memref<1x1x!tpu.dma_semaphore, #tpu.memory_space<semaphore_mem>> -> memref<!tpu.dma_semaphore, #tpu.memory_space<semaphore_mem>>
    %dma_wait3A_322 = arith.constant 896 : i32
    %dma_wait3A_323 = arith.constant 0 : i32
    %dma_wait3A_324 = tpu.memref_slice %arg10[%rem3A_0, %dma_wait3A_322, %dma_wait3A_323] : memref<2x1024x2048xf32, #tpu.memory_space<vmem>> -> memref<1x32x2048xf32, #tpu.memory_space<vmem>>
    %dma_wait3A_325 = tpu.memref_squeeze %dma_wait3A_324 : memref<1x32x2048xf32, #tpu.memory_space<vmem>> -> memref<32x2048xf32, #tpu.memory_space<vmem>>
    %dma_wait3A_326 = arith.constant 896 : i32
    %dma_wait3A_327 = arith.constant 0 : i32
    %dma_wait3A_328 = tpu.memref_slice %arg3[%arg0, %dma_wait3A_326, %dma_wait3A_327] : memref<8x1024x2048xf32, #tpu.memory_space<any>> -> memref<1x32x2048xf32, #tpu.memory_space<any>>
    %dma_wait3A_329 = tpu.memref_squeeze %dma_wait3A_328 : memref<1x32x2048xf32, #tpu.memory_space<any>> -> memref<32x2048xf32, #tpu.memory_space<any>>
    tpu.wait_dma2 semaphore(%dma_wait3A_321 : memref<!tpu.dma_semaphore, #tpu.memory_space<semaphore_mem>>) src(%dma_wait3A_329 : memref<32x2048xf32, #tpu.memory_space<any>>) dst(%dma_wait3A_325 : memref<32x2048xf32, #tpu.memory_space<vmem>>)
    %dma_wait3A_330 = arith.constant 29 : i32
    %dma_wait3A_331 = tpu.memref_slice %arg12[%rem3A_0, %dma_wait3A_330] : memref<2x32x!tpu.dma_semaphore, #tpu.memory_space<semaphore_mem>> -> memref<1x1x!tpu.dma_semaphore, #tpu.memory_space<semaphore_mem>>
    %dma_wait3A_332 = tpu.memref_squeeze %dma_wait3A_331 : memref<1x1x!tpu.dma_semaphore, #tpu.memory_space<semaphore_mem>> -> memref<!tpu.dma_semaphore, #tpu.memory_space<semaphore_mem>>
    %dma_wait3A_333 = arith.constant 928 : i32
    %dma_wait3A_334 = arith.constant 0 : i32
    %dma_wait3A_335 = tpu.memref_slice %arg10[%rem3A_0, %dma_wait3A_333, %dma_wait3A_334] : memref<2x1024x2048xf32, #tpu.memory_space<vmem>> -> memref<1x32x2048xf32, #tpu.memory_space<vmem>>
    %dma_wait3A_336 = tpu.memref_squeeze %dma_wait3A_335 : memref<1x32x2048xf32, #tpu.memory_space<vmem>> -> memref<32x2048xf32, #tpu.memory_space<vmem>>
    %dma_wait3A_337 = arith.constant 928 : i32
    %dma_wait3A_338 = arith.constant 0 : i32
    %dma_wait3A_339 = tpu.memref_slice %arg3[%arg0, %dma_wait3A_337, %dma_wait3A_338] : memref<8x1024x2048xf32, #tpu.memory_space<any>> -> memref<1x32x2048xf32, #tpu.memory_space<any>>
    %dma_wait3A_340 = tpu.memref_squeeze %dma_wait3A_339 : memref<1x32x2048xf32, #tpu.memory_space<any>> -> memref<32x2048xf32, #tpu.memory_space<any>>
    tpu.wait_dma2 semaphore(%dma_wait3A_332 : memref<!tpu.dma_semaphore, #tpu.memory_space<semaphore_mem>>) src(%dma_wait3A_340 : memref<32x2048xf32, #tpu.memory_space<any>>) dst(%dma_wait3A_336 : memref<32x2048xf32, #tpu.memory_space<vmem>>)
    %dma_wait3A_341 = arith.constant 30 : i32
    %dma_wait3A_342 = tpu.memref_slice %arg12[%rem3A_0, %dma_wait3A_341] : memref<2x32x!tpu.dma_semaphore, #tpu.memory_space<semaphore_mem>> -> memref<1x1x!tpu.dma_semaphore, #tpu.memory_space<semaphore_mem>>
    %dma_wait3A_343 = tpu.memref_squeeze %dma_wait3A_342 : memref<1x1x!tpu.dma_semaphore, #tpu.memory_space<semaphore_mem>> -> memref<!tpu.dma_semaphore, #tpu.memory_space<semaphore_mem>>
    %dma_wait3A_344 = arith.constant 960 : i32
    %dma_wait3A_345 = arith.constant 0 : i32
    %dma_wait3A_346 = tpu.memref_slice %arg10[%rem3A_0, %dma_wait3A_344, %dma_wait3A_345] : memref<2x1024x2048xf32, #tpu.memory_space<vmem>> -> memref<1x32x2048xf32, #tpu.memory_space<vmem>>
    %dma_wait3A_347 = tpu.memref_squeeze %dma_wait3A_346 : memref<1x32x2048xf32, #tpu.memory_space<vmem>> -> memref<32x2048xf32, #tpu.memory_space<vmem>>
    %dma_wait3A_348 = arith.constant 960 : i32
    %dma_wait3A_349 = arith.constant 0 : i32
    %dma_wait3A_350 = tpu.memref_slice %arg3[%arg0, %dma_wait3A_348, %dma_wait3A_349] : memref<8x1024x2048xf32, #tpu.memory_space<any>> -> memref<1x32x2048xf32, #tpu.memory_space<any>>
    %dma_wait3A_351 = tpu.memref_squeeze %dma_wait3A_350 : memref<1x32x2048xf32, #tpu.memory_space<any>> -> memref<32x2048xf32, #tpu.memory_space<any>>
    tpu.wait_dma2 semaphore(%dma_wait3A_343 : memref<!tpu.dma_semaphore, #tpu.memory_space<semaphore_mem>>) src(%dma_wait3A_351 : memref<32x2048xf32, #tpu.memory_space<any>>) dst(%dma_wait3A_347 : memref<32x2048xf32, #tpu.memory_space<vmem>>)
    %dma_wait3A_352 = arith.constant 31 : i32
    %dma_wait3A_353 = tpu.memref_slice %arg12[%rem3A_0, %dma_wait3A_352] : memref<2x32x!tpu.dma_semaphore, #tpu.memory_space<semaphore_mem>> -> memref<1x1x!tpu.dma_semaphore, #tpu.memory_space<semaphore_mem>>
    %dma_wait3A_354 = tpu.memref_squeeze %dma_wait3A_353 : memref<1x1x!tpu.dma_semaphore, #tpu.memory_space<semaphore_mem>> -> memref<!tpu.dma_semaphore, #tpu.memory_space<semaphore_mem>>
    %dma_wait3A_355 = arith.constant 992 : i32
    %dma_wait3A_356 = arith.constant 0 : i32
    %dma_wait3A_357 = tpu.memref_slice %arg10[%rem3A_0, %dma_wait3A_355, %dma_wait3A_356] : memref<2x1024x2048xf32, #tpu.memory_space<vmem>> -> memref<1x32x2048xf32, #tpu.memory_space<vmem>>
    %dma_wait3A_358 = tpu.memref_squeeze %dma_wait3A_357 : memref<1x32x2048xf32, #tpu.memory_space<vmem>> -> memref<32x2048xf32, #tpu.memory_space<vmem>>
    %dma_wait3A_359 = arith.constant 992 : i32
    %dma_wait3A_360 = arith.constant 0 : i32
    %dma_wait3A_361 = tpu.memref_slice %arg3[%arg0, %dma_wait3A_359, %dma_wait3A_360] : memref<8x1024x2048xf32, #tpu.memory_space<any>> -> memref<1x32x2048xf32, #tpu.memory_space<any>>
    %dma_wait3A_362 = tpu.memref_squeeze %dma_wait3A_361 : memref<1x32x2048xf32, #tpu.memory_space<any>> -> memref<32x2048xf32, #tpu.memory_space<any>>
    tpu.wait_dma2 semaphore(%dma_wait3A_354 : memref<!tpu.dma_semaphore, #tpu.memory_space<semaphore_mem>>) src(%dma_wait3A_362 : memref<32x2048xf32, #tpu.memory_space<any>>) dst(%dma_wait3A_358 : memref<32x2048xf32, #tpu.memory_space<vmem>>)
    return
  }
  func.func @transform_1(%arg0: i32) -> (i32, i32) {
    %c0_i32 = arith.constant 0 : i32
    %c0_i32_0 = arith.constant 0 : i32
    %c0_i32_1 = arith.constant 0 : i32
    return %c0_i32, %c0_i32_0 : i32, i32
  }
  func.func @transform_3(%arg0: i32) -> (i32, i32, i32) {
    %c0_i32 = arith.constant 0 : i32
    %c0_i32_0 = arith.constant 0 : i32
    %c0_i32_1 = arith.constant 0 : i32
    return %arg0, %c0_i32, %c0_i32_0 : i32, i32, i32
  }
  func.func @transform_4(%arg0: i32) -> (i32, i32, i32) {
    %c0_i32 = arith.constant 0 : i32
    %c0_i32_0 = arith.constant 0 : i32
    %c0_i32_1 = arith.constant 0 : i32
    return %arg0, %c0_i32, %c0_i32_0 : i32, i32, i32
  }
  func.func @transform_5(%arg0: i32) -> (i32, i32, i32) {
    %c0_i32 = arith.constant 0 : i32
    %c0_i32_0 = arith.constant 0 : i32
    %c0_i32_1 = arith.constant 0 : i32
    return %arg0, %c0_i32, %c0_i32_0 : i32, i32, i32
  }
  func.func @transform_6(%arg0: i32) -> (i32, i32, i32) {
    %c0_i32 = arith.constant 0 : i32
    %c0_i32_0 = arith.constant 0 : i32
    %c0_i32_1 = arith.constant 0 : i32
    return %arg0, %c0_i32, %c0_i32_0 : i32, i32, i32
  }
  func.func @transform_7(%arg0: i32) -> (i32, i32) {
    %c0_i32 = arith.constant 0 : i32
    %c0_i32_0 = arith.constant 0 : i32
    %c0_i32_1 = arith.constant 0 : i32
    return %c0_i32, %c0_i32_0 : i32, i32
  }
}

</mosaic_0001>

<sc_bundles>
// kernel: scatter_offload_async_start
scs
__scs_entry_jumppad:
0x0: {  	(pc) =	sbr.rel $0x88, $3  }
0x1: {  	(tag) =	ssettag $0x0;
	lr =	simm.s32 $0x1  }
0x2: {  	[smem:$0x3F9A] =	sst lr;
	_ =	strace $0xD0000000  }
0x3: {  	_ = 	snop  }
0x4: {  	_ = 	snop  }
0x5: {  	_ = 	snop  }
0x6: {  	_ = 	snop  }
0x7: {  	_ = 	snop  }
__scs_overlays_trampoline_lowered:
0x8: {  	[smem:$0x3FA9] =	sst s0  }
0x9: {  	[smem:$0x3FAA] =	sst s1  }
0xa: {  	[smem:$0x3FAB] =	sst s2  }
0xb: {  	[smem:$0x3FAC] =	sst s3  }
0xc: {  	[smem:$0x3FAD] =	sst s4  }
0xd: {  	[smem:$0x3FAE] =	sst s5  }
0xe: {  	[smem:$0x3FAF] =	sst s6  }
0xf: {  	[smem:$0x3FB0] =	sst s7  }
0x10: {  	[smem:$0x3FB1] =	sst s8  }
0x11: {  	[smem:$0x3FB2] =	sst s9;
	s0 =	simm.s32 @!p0 $0x0  }
0x12: {  	s1 =	sld [smem:$0x3F98];
	s0 =	simm.s32 @p0 $0x1  }
0x13: {  	[smem:$0x3FB3] =	sst s0;
	s0 =	simm.s32 @!p1 $0x0  }
0x14: {  	s2 =	sld [smem:$0x3F97];
	s0 =	simm.s32 @p1 $0x1  }
0x15: {  	[smem:$0x3FB4] =	sst s0;
	s0 =	simm.s32 @!p2 $0x0  }
0x16: {  	s3 =	sld [smem:$0x3FDB];
	s0 =	simm.s32 @p2 $0x1  }
0x17: {  	s4 =	simm.s32 $0x1BF5;
	[smem:$0x3FB6] =	sst s0  }
0x18: {  	s0 =	sld [smem:$0x3F99];
	_ =	swait.ge [sflag:s4], $0x0  }
0x19: {  	s7 =	sld [smem:$0x3F9A]  }
0x1a: {  	s8 =	sadd.s32 $0xFFFFE003, lr  }
0x1b: {  	s9 =	sadd.s32 $0xFFFFFEF7, lr;
	s5 =	simm.s32 $0xFFFFFFFF;
	p2 =	slt.u32 s8, $0xFFFFF086  }
0x1c: {  	p1 =	slt.u32 s9, $0xF7A;
	s5 =	simm.s32 @!p2 $0x0  }
0x1d: {  	s5 =	simm.s32 @p1 $0x1;
	p0 =	seq.s32 s7, s2  }
0x1e: {  	s7 =	smul.u32 @!p0 $0xF7A, s2;
	p2 =	seq.s32 @!p0 s5, $0x0  }
0x1f: {  	s9 =	smul.u32 $0xF7A, s1;
	s8 =	simm.s32 @!p0 $0x1BF5;
	p2 =	por !p2, p0  }
0x20: {  	[sflag:s8] =	ssyncset.s32 @!p0 $0xFFFFF086;
	s6 =	sadd.s32 @!p0 s3, s7;
	s7 =	simm.s32 @!p0 $0x108  }
0x21: {  	s3 =	sadd.s32 s3, s9;
	s6 =	sadd.s32 @!p0 $0x88, s6;
	s7 =	simm.s32 @p2 $0x1082  }
0x22: {  	[simem:s7], [sflag:s8] =	dma.local @!p0 [hbm:s6], $0xF7A  }
0x23: {  	s9 =	sor.u32 $0xD0000000, s2;
	s6 =	simm.s32 $0x108;
	_ =	swait.ge @!p0 [sflag:s8], $0x0  }
0x24: {  	s3 =	sadd.s32 $0x88, s3;
	s6 =	simm.s32 @!p1 $0x1082;
	[sflag:s4] =	ssyncset.s32 $0xFFFFF086  }
0x25: {  	[simem:s6], [sflag:s4] =	dma.local [hbm:s3], $0xF7A  }
0x26: {  	[smem:$0x3F9A] =	sst s1;
	(tag) =	ssettag s2;
	_ =	strace s9  }
0x27: {  	s1 =	sld [smem:$0x3FAA]  }
0x28: {  	s2 =	sld [smem:$0x3FAB]  }
0x29: {  	s4 =	sld [smem:$0x3FAD]  }
0x2a: {  	p0 =	seq.s32 s5, $0x0;
	s5 =	sld [smem:$0x3FAE]  }
0x2b: {  	s6 =	sld [smem:$0x3FAF]  }
0x2c: {  	s7 =	sld [smem:$0x3FB0]  }
0x2d: {  	s3 =	simm.s32 $0x108;
	s8 =	sld [smem:$0x3FB1]  }
0x2e: {  	s3 =	simm.s32 @!p0 $0x1082;
	s9 =	sld [smem:$0x3FB2]  }
0x2f: {  	lr =	sadd.s32 s0, s3;
	s0 =	sld [smem:$0x3FA9]  }
0x30: {  	s3 =	sld [smem:$0x3FAC]  }
0x31: {  	[smem:$0x3FB5] =	sst s10  }
0x32: {  	s10 =	sld [smem:$0x3FB3];
	_ =	sdelay $0x3  }
0x33: {  	p0 =	seq.s32 s10, $0x1;
	s10 =	sld [smem:$0x3FB5];
	_ =	sdelay $0x3  }
0x34: {  	[smem:$0x3FB5] =	sst s10  }
0x35: {  	s10 =	sld [smem:$0x3FB4];
	_ =	sdelay $0x3  }
0x36: {  	p1 =	seq.s32 s10, $0x1;
	s10 =	sld [smem:$0x3FB5];
	_ =	sdelay $0x3  }
0x37: {  	[smem:$0x3FB5] =	sst s10  }
0x38: {  	s10 =	sld [smem:$0x3FB6]  }
0x39: {  	_ = 	snop;
	(pc) =	sbr.ind lr, $3  }
0x3a: {  	_ = 	snop  }
0x3b: {  	_ = 	snop  }
0x3c: {  	p2 =	seq.s32 s10, $0x1;
	s10 =	sld [smem:$0x3FB5]  }
0x3d: {  	_ =	shalt  }
0x3e: {  	_ =	shalt  }
0x3f: {  	_ =	shalt  }
0x40: {  	_ =	shalt  }
0x41: {  	_ =	shalt  }
0x42: {  	_ =	shalt  }
0x43: {  	_ =	shalt  }
0x44: {  	_ =	shalt  }
0x45: {  	_ =	shalt  }
0x46: {  	_ =	shalt  }
0x47: {  	_ =	shalt  }
0x48: {  	_ =	shalt  }
0x49: {  	_ =	shalt  }
0x4a: {  	_ =	shalt  }
0x4b: {  	_ =	shalt  }
0x4c: {  	_ =	shalt  }
0x4d: {  	_ =	shalt  }
0x4e: {  	_ =	shalt  }
0x4f: {  	_ =	shalt  }
0x50: {  	_ =	shalt  }
0x51: {  	_ =	shalt  }
0x52: {  	_ =	shalt  }
0x53: {  	_ =	shalt  }
0x54: {  	_ =	shalt  }
0x55: {  	_ =	shalt  }
0x56: {  	_ =	shalt  }
0x57: {  	_ =	shalt  }
0x58: {  	_ =	shalt  }
0x59: {  	_ =	shalt  }
0x5a: {  	_ =	shalt  }
0x5b: {  	_ =	shalt  }
0x5c: {  	_ =	shalt  }
0x5d: {  	_ =	shalt  }
0x5e: {  	_ =	shalt  }
0x5f: {  	_ =	shalt  }
0x60: {  	_ =	shalt  }
0x61: {  	_ =	shalt  }
0x62: {  	_ =	shalt  }
0x63: {  	_ =	shalt  }
0x64: {  	_ =	shalt  }
0x65: {  	_ =	shalt  }
0x66: {  	_ =	shalt  }
0x67: {  	_ =	shalt  }
0x68: {  	_ =	shalt  }
0x69: {  	_ =	shalt  }
0x6a: {  	_ =	shalt  }
0x6b: {  	_ =	shalt  }
0x6c: {  	_ =	shalt  }
0x6d: {  	_ =	shalt  }
0x6e: {  	_ =	shalt  }
0x6f: {  	_ =	shalt  }
0x70: {  	_ =	shalt  }
0x71: {  	_ =	shalt  }
0x72: {  	_ =	shalt  }
0x73: {  	_ =	shalt  }
0x74: {  	_ =	shalt  }
0x75: {  	_ =	shalt  }
0x76: {  	_ =	shalt  }
0x77: {  	_ =	shalt  }
0x78: {  	_ =	shalt  }
0x79: {  	_ =	shalt  }
0x7a: {  	_ =	shalt  }
0x7b: {  	_ =	shalt  }
0x7c: {  	_ =	shalt  }
0x7d: {  	_ =	shalt  }
0x7e: {  	_ =	shalt  }
0x7f: {  	_ =	shalt  }
0x80: {  	_ =	shalt  }
0x81: {  	_ =	shalt  }
0x82: {  	_ =	shalt  }
0x83: {  	_ =	shalt  }
0x84: {  	_ =	shalt  }
0x85: {  	_ =	shalt  }
0x86: {  	_ =	shalt  }
0x87: {  	_ =	shalt  }
.Lfunc_end0:
.L_simem_size_0:
called_computation_lowered:
.L_overlay_start_0:
0x88: {  	s0 =	sld [smem:$0x3FD9]  }
0x89: {  	s1 =	sld [smem:$0x3FFE];
	_ =	sdelay $0x3  }
0x8a: {  	s0 =	sadd.s32 s1, s0  }
0x8b: {  	[smem:$0x3FC1] =	sst s0  }
0x8c: {  	_ = 	snop  }
0x8d: {  	s0 =	sld [smem:$0x3FD0];
	(tm) =	ssettm $0x1  }
0x8e: {  	s16 =	sld [smem:$0x3FFB];
	_ =	sdelay $0x3  }
0x8f: {  	_ =	strace s16  }
0x90: {  	s1 =	sld [smem:$0x3FFC];
	_ =	sdelay $0x3  }
0x91: {  	_ =	strace s1  }
0x92: {  	s1 =	sld [smem:$0x3FFD];
	_ =	sdelay $0x3  }
0x93: {  	_ =	strace s1  }
0x94: {  	_ =	strace $0x8FFFFFFF  }
0x95: {  	s17 =	sld [smem:$0x3FDB];
	_ =	sdelay $0x1  }
0x96: {  	s2 =	simm.s32 $_scs_section_size  }
0x97: {  	s3 =	simm.s32 $_size__tile_overlayer_lowered;
	s4 =	simm.s32 $_tile_overlayer_lowered  }
0x98: {  	s20 =	simm.s32 $0x1BFF;
	s19 =	sshll.u32 s4, $0x1;
	s1 =	sadd.s32 s2, s17  }
0x99: {  	s5 =	simm.s32 $0x0;
	s18 =	sshll.u32 s3, $0x1;
	s3 =	sadd.s32 s19, s1  }
0x9a: {  	[timem:s5], [sflag:s20] =	dma.local [hbm:s3], s18  }
0x9b: {  	_ =	swait.ge [sflag:s20], s18  }
0x9c: {  	s2 =	ssub.s32 $0x0, s18;
	[sflag:s20] =	ssyncset.done $0x0  }
0x9d: {  	[sflag:s20] =	ssyncadd.s32 s2;
	_ =	sdelay $0x1  }
0x9e: {  	s21 =	simm.s32 $0x1B8B  }
0x9f: {  	_ =	swait.ge [sflag:s21], $0x1  }
0xa0: {  	[sflag:s21] =	ssyncset.done $0x0  }
0xa1: {  	s23 =	simm.s32 $0x1B8E;
	s22 =	sld [smem:$0x3FFE];
	[sflag:s21] =	ssyncadd.s32 $0xFFFFFFFF  }
0xa2: {  	s24 =	simm.s32 $execute0_lowered;
	[smem:$0x3FD2] =	sst s23  }
0xa3: {  	s3 =	sshll.u32 s24, $0x1;
	_ =	strace $0x80000046;
	[dreg:$0x1] =	wrdreg $0xFFFFFFFF  }
0xa4: {  	s25 =	simm.s32 $_size_execute0_lowered;
	s1 =	sadd.s32 s1, s3;
	[dreg:$0x0] =	wrdreg $0x0  }
0xa5: {  	s3 =	sshll.u32 s25, $0x1;
	[dreg:$0x2] =	wrdreg s1  }
0xa6: {  	[dreg:$0x3] =	wrdreg s3  }
0xa7: {  	[dreg:$0x4] =	wrdreg $0xC0  }
0xa8: {  	_ =	task [dreg:s5], $0x5FFFF  }
0xa9: {  	[dreg:$0x1] =	wrdreg $0xFFFFFFFF  }
0xaa: {  	[dreg:$0x0] =	wrdreg $0x60  }
0xab: {  	[dreg:$0x2] =	wrdreg s0  }
0xac: {  	[dreg:$0x3] =	wrdreg s22  }
0xad: {  	[dreg:$0x4] =	wrdreg $0x9  }
0xae: {  	_ =	task.clear_ibuf [dreg:s5], $0x5FFFF;
	_ =	strace $0x90000046  }
0xaf: {  	s26 =	simm.s32 $0x9;
	_ =	strace $0x80000048  }
0xb0: {  	_ =	swait.ge [sflag:s26], $0x1  }
0xb1: {  	[sflag:s26] =	ssyncadd.s32 $0xFFFFFFFF  }
0xb2: {  	_ =	strace $0x90000048  }
0xb3: {  	_ =	sfence  }
0xb4: {  	s28 =	sld [smem:$0x0];
	_ =	sdelay $0x1  }
0xb5: {  	s29 =	srdreg.scid  }
0xb6: {  	s30 =	sshll.u32 s29, $0xD;
	s31 =	sshrl.u32 s29, $0x2  }
0xb7: {  	s2 =	sand.u32 $0x4000, s30;
	s1 =	sand.u32 $0x1, s29;
	s0 =	sadd.s32 s31, s28  }
0xb8: {  	s1 =	sor.u32 s2, s1;
	s0 =	sshll.u32 s0, $0x11  }
0xb9: {  	s0 =	sor.u32 s0, s1  }
0xba: {  	s0 =	sadd.s32 $0x8F2B, s0  }
0xbb: {  	[sflag:s0] =	ssyncadd.remote.s32 $0x1  }
0xbc: {  	_ =	sfence.sel $0xFFFF  }
0xbd: {  	[dreg:$0x0] =	wrdreg $0xFFFFFFFF;
	(pc) =	sbr.abs _section_cstart, $3  }
0xbe: {  	[dreg:$0x1] =	wrdreg $0xFFFFFFFF  }
0xbf: {  	_ =	task.clear_ibuf [dreg:s5], $0x2FFFF;
	_ =	strace $0x9FFFFFFF  }
0xc0: {  	(tm) =	ssettm $0x7FFFFFFF  }
0xc1: {  	_ =	shalt  }
tec
execute0_lowered:
.L_overlay_start_1:
0x0: {  	(tag) =	ssettag $0x1  }
0x1: {  	s1 =	rddreg [dreg:$0x0]  }
0x2: {  	s4 =	rddreg [dreg:$0x1]  }
0x3: {  	s0 =	rddreg [dreg:$0x2];
	s3 =	stileid.u32  }
0x4: {  	_ =	strace $0x80000047;
	s5 =	simm.s32 $0x3E;
	p0 =	sne.s32 s3, $0x0  }
0x5: {  	[sflag:s5] =	ssyncpa.u1 $0x0;
	s31 =	smin.u32 s3, $0x8;
	p1 =	slt.u32 s3, $0x8  }
0x6: {  	s3 =	simm.s32 $0x10;
	s6 =	simm.s32 @!p0 $0x1C3E;
	s2 =	simm.s32 @!p0 $0x0  }
0x7: {  	[spmem:s2], [sflag:s6] =	dma.local @!p0 [hbm:s1], $0x10  }
0x8: {  	s3 =	simm.s32 @!p1 $0x0;
	s6 =	sshll.u32 s31, $0x4  }
0x9: {  	s3 =	sadd.s32 s3, s6  }
0xa: {  	s9 =	smin.u32 s3, $0x80  }
0xb: {  	s8 =	ssub.s32 s9, s6  }
0xc: {  	p1 =	sgt.s32 s8, $0x0  }
0xd: {  	s7 =	simm.s32 @!p0 $0x3E;
	s8 =	simm.s32 @!p1 $0x0  }
0xe: {  	_ =	swait.ge @!p0 [sflag:s7], $0x10;
	s10 =	sshrl.u32 s8, $0x4  }
0xf: {  	[sflag:s7] =	ssyncset.done @!p0 $0x0;
	s11 =	sadd.s32 $0x1, s10  }
0x10: {  	[sflag:s7] =	ssyncadd.s32 @!p0 $0xFFFFFFF0;
	p1 =	sne.s32 s11, $0x1  }
.Ltmp0:
0x11: {  	p3 =	por $0x0, $0x0;
	[bflag:$0x0] =	sbarrier.arrive $0xFFFF;
	(pc) =	sbr.rel @!p1 .LBB2_1-.Ltmp0, $4  }
0x12: {  	s3 =	simm.s32 $0x1;
	s7 =	sadd.s32 $0x200, s4;
	[sflag:s5] =	ssyncpa.u1 $0x1  }
0x13: {  	s5 =	simm.s32 $0x2;
	s8 =	simm.s32 $0x0;
	p2 =	sle.u32 s10, $0x0  }
0x14: {  	[sflag:s3] =	ssyncpa.u1 $0x0;
	(ifvalue) =	ssetifvalue $0x80;
	s12 =	sxor.u32 @!p2 $0xFFFFFFFF, s8  }
0x15: {  	[sflag:s5] =	ssyncpa.u1 $0x0;
	s15 =	sshrl.u32 @!p2 s6, $0x3;
	s16 =	sand.u32 @!p2 $0x10, s12  }
0x16: {  	s12 =	sadd.s32 @!p2 s4, s15  }
0x17: {  	s13 =	sor.u32 @!p2 $0x8, s16;
	s14 =	sand.u32 @!p2 $0x7, s6;
	p1 =	por $0x1, $0x1  }
0x18: {  	[tilespmem:s13], [sflag:$0x2] =	stream.linear.gather @!p2 [hbm4b:s12+s14], $0x10, $0x38;
	[tilespmem:$0x48] =	vst v63  }
0x19: {  	s15 =	sadd.s32 @!p2 s7, s15;
	s12 =	sor.u32 @!p2 $0x28, s16;
	s13 =	simm.s32 @!p1 $0x2  }
0x1a: {  	[tilespmem:s12], [sflag:$0x2] =	stream.linear.gather @!p2 [hbm4b:s15+s14], $0x10, $0x38;
	[tilespmem:$0x48] =	vst v63  }
0x1b: {  	_ =	swait.ge @!p1 [sflag:s13], $0x20  }
0x1c: {  	s8 =	sand.u32 @!p1 $0x10, s8;
	[sflag:s13] =	ssyncset.done @!p1 $0x0  }
0x1d: {  	s12 =	sor.u32 @!p1 $0x8, s8;
	[sflag:s13] =	ssyncadd.s32 @!p1 $0xFFFFFFE0  }
0x1e: {  	v0 =	vld.msk @!p1 [tilespmem:s12+$0x0 ss:$0x1], $0xffff;
	_ =	sdelay $0x3  }
0x1f: {  	p4 =	sne.s32 s11, $0x2  }
.Ltmp1:
0x20: {  	s18 =	simm.s32 @!p1 $0x0;
	s17 =	simm.s32 @!p1 $0x1;
	v0 =	vmin.u32 @!p1 v0, $0x80;
	(pc) =	sbr.rel @!p4 .LBB2_3-.Ltmp1, $4  }
0x21: {  	s15 =	sadd.s32 $0x10, s6;
	p2 =	sle.u32 s10, $0x1;
	s14 =	smov.u32 s6  }
0x22: {  	p3 =	slt.s32 s15, s9;
	s13 =	sor.u32 @!p1 $0x28, s8;
	s8 =	simm.s32 $0x10  }
0x23: {  	s14 =	smov.u32 @p3 s15;
	p3 =	por $0x1, $0x1;
	s16 =	sxor.u32 @!p2 $0xFFFFFFFF, s8  }
0x24: {  	vm0 =	vmmov @!p1 $0xffff;
	s15 =	sshrl.u32 @!p2 s14, $0x3;
	s12 =	simm.s32 $0x2;
	s16 =	sand.u32 @!p2 $0x10, s16  }
.LBB2_4:
0x25: {  	[spmem:s18] =	stream.indirect_vreg.scatter.add.s32 @!p1 [tilespmem:s13], [sflag:$0x1], $0x1, v0, vm0, $0x4038;
	[tilespmem:$0x48] =	vst v63  }
0x26: {  	s13 =	sadd.s32 @!p2 s4, s15;
	s18 =	sor.u32 @!p2 $0x8, s16;
	_ =	swait.ge @!p1 [sflag:s17], $0x10  }
0x27: {  	s19 =	smov.u32 s12;
	s12 =	sadd.s32 $0x1, s12;
	[sflag:s17] =	ssyncset.done @!p1 $0x0  }
0x28: {  	s20 =	sand.u32 @!p2 $0x7, s14;
	[sflag:s17] =	ssyncadd.s32 @!p1 $0xFFFFFFF0;
	p1 =	seq.s32 s8, $0x0  }
0x29: {  	[tilespmem:s18], [sflag:$0x2] =	stream.linear.gather @!p2 [hbm4b:s13+s20], $0x10, $0x38;
	[tilespmem:$0x48] =	vst v63  }
0x2a: {  	s16 =	sor.u32 @!p2 $0x28, s16;
	s17 =	simm.s32 @!p1 $0x2;
	s13 =	sand.u32 @!p1 $0x10, s8  }
0x2b: {  	s15 =	sadd.s32 @!p2 s7, s15;
	s18 =	sor.u32 @!p1 $0x8, s13;
	s13 =	sor.u32 @!p1 $0x28, s13  }
0x2c: {  	[tilespmem:s16], [sflag:$0x2] =	stream.linear.gather @!p2 [hbm4b:s15+s20], $0x10, $0x38;
	[tilespmem:$0x48] =	vst v63  }
0x2d: {  	p4 =	sne.s32 s11, s12;
	_ =	swait.ge @!p1 [sflag:s17], $0x20  }
0x2e: {  	[sflag:s17] =	ssyncset.done @!p1 $0x0  }
0x2f: {  	[sflag:s17] =	ssyncadd.s32 @!p1 $0xFFFFFFE0  }
0x30: {  	v0 =	vld.msk @!p1 [tilespmem:s18+$0x0 ss:$0x1], $0xffff;
	_ =	sdelay $0x5  }
.Ltmp2:
0x31: {  	s8 =	sadd.s32 $0x10, s8;
	v0 =	vmin.u32 @!p1 v0, $0x80;
	(pc) =	sbr.rel @p4 .LBB2_4-.Ltmp2, $4  }
0x32: {  	vm0 =	vmmov @!p1 $0xffff;
	s15 =	sadd.s32 $0x10, s14;
	p2 =	sge.u32 s19, s10;
	s18 =	simm.s32 @!p1 $0x0  }
0x33: {  	s14 =	smov.u32 s6;
	p5 =	slt.s32 s15, s9;
	s17 =	simm.s32 @!p1 $0x1  }
0x34: {  	s16 =	sxor.u32 @!p2 $0xFFFFFFFF, s8;
	s14 =	smov.u32 @p5 s15  }
0x35: {  	s16 =	sand.u32 @!p2 $0x10, s16;
	s15 =	sshrl.u32 @!p2 s14, $0x3  }
0x36: {  	s6 =	smov.u32 s14  }
.LBB2_6:
0x37: {  	_ =	sdelay $0x2  }
0x38: {  	p3 =	por p1, !p3  }
0x39: {  	[spmem:s18] =	stream.indirect_vreg.scatter.add.s32 @!p3 [tilespmem:s13], [sflag:$0x1], $0x1, v0, vm0, $0x4038;
	[tilespmem:$0x48] =	vst v63  }
0x3a: {  	_ =	swait.ge @!p3 [sflag:s17], $0x10  }
0x3b: {  	s4 =	sadd.s32 @!p2 s4, s15;
	s9 =	sor.u32 @!p2 $0x8, s16;
	[sflag:s17] =	ssyncset.done @!p3 $0x0  }
0x3c: {  	s6 =	sand.u32 @!p2 $0x7, s6;
	p1 =	seq.s32 s8, $0x0;
	[sflag:s17] =	ssyncadd.s32 @!p3 $0xFFFFFFF0  }
0x3d: {  	[tilespmem:s9], [sflag:$0x2] =	stream.linear.gather @!p2 [hbm4b:s4+s6], $0x10, $0x38;
	[tilespmem:$0x48] =	vst v63  }
0x3e: {  	s7 =	sadd.s32 @!p2 s7, s15;
	s4 =	sor.u32 @!p2 $0x28, s16;
	s9 =	simm.s32 @!p1 $0x2  }
0x3f: {  	[tilespmem:s4], [sflag:$0x2] =	stream.linear.gather @!p2 [hbm4b:s7+s6], $0x10, $0x38;
	[tilespmem:$0x48] =	vst v63  }
0x40: {  	_ =	swait.ge @!p1 [sflag:s9], $0x20  }
0x41: {  	s4 =	sand.u32 @!p1 $0x10, s8;
	[sflag:s9] =	ssyncset.done @!p1 $0x0  }
0x42: {  	s6 =	sor.u32 @!p1 $0x8, s4;
	[sflag:s9] =	ssyncadd.s32 @!p1 $0xFFFFFFE0  }
0x43: {  	v0 =	vld.msk @!p1 [tilespmem:s6+$0x0 ss:$0x1], $0xffff;
	_ =	sdelay $0x4  }
0x44: {  	v0 =	vmin.u32 @!p1 v0, $0x80;
	_ =	sdelay $0x3  }
0x45: {  	vm0 =	vmmov @!p1 $0xffff;
	s7 =	simm.s32 @!p1 $0x1;
	s4 =	sor.u32 @!p1 $0x28, s4;
	s6 =	simm.s32 @!p1 $0x0  }
0x46: {  	[spmem:s6] =	stream.indirect_vreg.scatter.add.s32 @!p1 [tilespmem:s4], [sflag:$0x1], $0x1, v0, vm0, $0x4038;
	[tilespmem:$0x48] =	vst v63  }
0x47: {  	_ =	swait.ge @!p1 [sflag:s7], $0x10  }
0x48: {  	[sflag:s7] =	ssyncset.done @!p1 $0x0  }
0x49: {  	[sflag:s7] =	ssyncadd.s32 @!p1 $0xFFFFFFF0  }
0x4a: {  	_ =	sfence.sel $0x180000  }
0x4b: {  	[bflag:$0x0] =	sbarrier.arrive $0xFFFF  }
0x4c: {  	[sflag:s5] =	ssyncpa.u1 $0x1  }
0x4d: {  	[sflag:s3] =	ssyncpa.u1 $0x1  }
0x4e: {  	_ =	sfence.stream.spmem  }
0x4f: {  	s31 =	simm.s32 $0x3D;
	[bflag:$0x0] =	sbarrier.arrive $0xFFFF  }
0x50: {  	s3 =	simm.s32 @p0 $0x3D;
	[sflag:s31] =	ssyncpa.u1 $0x0  }
0x51: {  	[sflag:s3] =	ssyncpa.u1 @p0 $0x1  }
0x52: {  	[bflag:$0x0] =	sbarrier.arrive @p0 $0xFFFF  }
0x53: {  	_ =	strace @p0 $0x90000047  }
0x54: {  	s3 =	simm.s32 @!p0 $0x1C3D;
	[bflag:$0x2] =	sbarrier.arrive @p0 $0xFFFF  }
0x55: {  	[hbm:s1], [sflag:s3] =	dma.local @!p0 [spmem:s2], $0x10  }
0x56: {  	s1 =	simm.s32 @!p0 $0x3D  }
0x57: {  	_ =	swait.ge @!p0 [sflag:s1], $0x10  }
0x58: {  	[sflag:s1] =	ssyncset.done @!p0 $0x0  }
0x59: {  	[sflag:s1] =	ssyncadd.s32 @!p0 $0xFFFFFFF0  }
0x5a: {  	[sflag:s1] =	ssyncpa.u1 @!p0 $0x1  }
0x5b: {  	[bflag:$0x0] =	sbarrier.arrive @!p0 $0xFFFF  }
0x5c: {  	_ =	strace @!p0 $0x90000047  }
0x5d: {  	s0 =	sadd.s32 @!p0 $0x100000, s0;
	[bflag:$0x2] =	sbarrier.arrive @!p0 $0xFFFF  }
0x5e: {  	[sflag:s0] =	ssyncadd.tile.s32 @!p0 $0x1;
	_ =	shalt  }
.LBB2_1:
.Ltmp3:
0x5f: {  	(pc) =	sbr.rel .LBB2_6-.Ltmp3, $2  }
0x60: {  	_ =	sdelay $0x2  }
0x61: {  	_ = 	snop  }
.LBB2_3:
.Ltmp4:
0x62: {  	(pc) =	sbr.rel .LBB2_6-.Ltmp4, $2  }
0x63: {  	_ =	sdelay $0x2  }
0x64: {  	s6 =	smov.u32 s14  }
.Lfunc_end2:
_tile_overlayer_lowered:
.L_overlay_start_2:
0x65: {  	(tag) =	ssettag $0x2  }
0x66: {  	s0 =	rddreg [dreg:$0x0];
	s2 =	stileid.u32  }
0x67: {  	s1 =	rddreg [dreg:$0x1];
	p0 =	sne.s32 s2, $0x0  }
0x68: {  	s3 =	rddreg [dreg:$0x2];
	[bflag:$0x3] =	sbarrier.arrive $0xFFFF;
	s2 =	simm.s32 @!p0 $0x1C01  }
0x69: {  	[timem:s3], [sflag:s2] =	dma.local @!p0 [hbm:s0], s1  }
0x6a: {  	s0 =	simm.s32 @!p0 $0x1  }
0x6b: {  	_ =	swait.ge @!p0 [sflag:s0], s1  }
0x6c: {  	s1 =	ssub.s32 @!p0 $0x0, s1;
	[sflag:s0] =	ssyncset.done @!p0 $0x0  }
0x6d: {  	[sflag:s0] =	ssyncadd.s32 @!p0 s1  }
0x6e: {  	[bflag:$0x3] =	sbarrier.arrive $0xFFFF  }
0x6f: {  	_ =	shalt  }

</sc_bundles>
